<compile_context>
chip_gen: v7x
topology: tpu7x:2x2x1
jax: 0.10.2.dev20260603
libtpu: 0.0.44.dev20260713+nightly
codegen_flags: <defaults>
</compile_context>

<pallas_src>
import functools

import jax
import jax.numpy as jnp
from jax import lax
from jax.experimental import pallas as pl
from jax.experimental.pallas import tpu as pltpu
from jax.experimental.pallas import tpu_sc as plsc

N_SC = 2
N_TILES = 16


def _relu_body(x_ref, o_ref):
    d_half = x_ref.shape[1] // 2
    o_ref[0] = jnp.maximum(x_ref[:, :d_half], 0.0)
    o_ref[1] = jnp.maximum(x_ref[:, d_half:], 0.0)


def _mlp_body(x_ref, p_ref, w1t_ref, b1_ref, g_ref, bt_ref, w2t_ref,
              b2_ref, eps_ref, o_ref):
    n = x_ref.shape[0]
    agg = jnp.concatenate([p_ref[0, :n], p_ref[1, :n]], axis=-1)
    h = (1.0 + eps_ref[...]) * x_ref[...] + agg
    l1 = jnp.dot(h, w1t_ref[...], preferred_element_type=jnp.float32)
    l1 = l1 + b1_ref[...]
    mean = jnp.mean(l1, axis=0, keepdims=True)
    cen = l1 - mean
    var = jnp.mean(cen * cen, axis=0, keepdims=True)
    hn = cen * lax.rsqrt(var + 1e-5) * g_ref[...] + bt_ref[...]
    hn = jnp.maximum(hn, 0.0)
    o_ref[...] = (jnp.dot(hn, w2t_ref[...], preferred_element_type=jnp.float32)
                  + b2_ref[...])


def _make_sc_scatter(N, NP, DH, C, S, K, NCH):
    src_rows_per_tile = N // N_TILES
    acc_rows_per_tile = NP // N_TILES
    nsec = NCH // S
    assert S % K == 0 and NCH % S == 0 and nsec >= 2
    mesh = plsc.VectorSubcoreMesh(
        core_axis_name="c", subcore_axis_name="s",
        num_cores=N_SC, num_subcores=N_TILES)

    @functools.partial(
        pl.kernel,
        out_type=jax.ShapeDtypeStruct((N_SC, NP, DH), jnp.float32),
        mesh=mesh,
        compiler_params=pltpu.CompilerParams(use_tc_tiling_on_sc=False),
        scratch_types=[
            pltpu.VMEM((2, S, C), jnp.int32),
            pltpu.VMEM((2, S, C), jnp.int32),
            pltpu.VMEM((K, C, DH), jnp.float32),
            pltpu.VMEM_SHARED((N, DH), jnp.float32),
            pltpu.VMEM_SHARED((NP, DH), jnp.float32),
            [pltpu.SemaphoreType.DMA] * K,
            [pltpu.SemaphoreType.DMA] * 2,
            pltpu.SemaphoreType.DMA,
            pltpu.SemaphoreType.DMA,
        ],
    )
    def sc_scatter(rh_hbm, src_hbm, dst_hbm, z_hbm, out_hbm,
                   src_v, dst_v, rows_v, r_sh, acc_sh, gsems, ssems,
                   semis, semid):
        cid = lax.axis_index("c")
        sid = lax.axis_index("s")
        base = sid * NCH
        a0 = sid * acc_rows_per_tile
        g0 = sid * src_rows_per_tile

        with jax.named_scope("gin_zinit"):
            pltpu.sync_copy(rh_hbm.at[cid, pl.ds(g0, src_rows_per_tile)],
                            r_sh.at[pl.ds(g0, src_rows_per_tile)])
            pltpu.sync_copy(z_hbm, acc_sh.at[pl.ds(a0, acc_rows_per_tile)])

            pltpu.sync_copy(src_hbm.at[pl.ds(base, S)], src_v.at[0])
            pltpu.sync_copy(dst_hbm.at[pl.ds(base, S)], dst_v.at[0])
            pltpu.async_copy(src_hbm.at[pl.ds(base + S, S)], src_v.at[1],
                             semis)
            pltpu.async_copy(dst_hbm.at[pl.ds(base + S, S)], dst_v.at[1],
                             semid)
            plsc.subcore_barrier()

        for pb in range(2):
            pltpu.async_copy(r_sh.at[src_v.at[0, pb]], rows_v.at[pb],
                             gsems[pb])

        def idx_wait(s, buf):
            pltpu.make_async_copy(
                src_hbm.at[pl.ds(base + s * S, S)], src_v.at[buf],
                semis).wait()
            pltpu.make_async_copy(
                dst_hbm.at[pl.ds(base + s * S, S)], dst_v.at[buf],
                semid).wait()

        def drain_scatter(sl):
            pltpu.make_async_copy(
                rows_v.at[sl], acc_sh.at[dst_v.at[0, 0]], ssems[sl]).wait()

        def section(s, carry):
            sb = s % 2
            nb = (s + 1) % 2
            for jl in range(S):
                b = jl % K
                sl = jl % 2
                pltpu.make_async_copy(
                    r_sh.at[src_v.at[sb, jl]], rows_v.at[b], gsems[b]).wait()
                if jl >= 1:
                    drain_scatter(1 - sl)
                else:
                    @pl.when(s > 0)
                    def _():
                        drain_scatter(1 - sl)
                pltpu.async_copy(rows_v.at[b], acc_sh.at[dst_v.at[sb, jl]],
                                 ssems[sl], add=True)
                gb = (jl + 2) % K
                if jl + 2 < S:
                    pltpu.async_copy(
                        r_sh.at[src_v.at[sb, jl + 2]], rows_v.at[gb],
                        gsems[gb])
                else:
                    if jl == S - 2:
                        @pl.when(s + 1 < nsec)
                        def _():
                            idx_wait(s + 1, nb)

                    jn = jl + 2 - S

                    @pl.when(s + 1 < nsec)
                    def _():
                        pltpu.async_copy(
                            r_sh.at[src_v.at[nb, jn]], rows_v.at[gb],
                            gsems[gb])
            @pl.when(s + 2 < nsec)
            def _():
                pltpu.async_copy(
                    src_hbm.at[pl.ds(base + (s + 2) * S, S)], src_v.at[sb],
                    semis)
                pltpu.async_copy(
                    dst_hbm.at[pl.ds(base + (s + 2) * S, S)], dst_v.at[sb],
                    semid)
            return carry

        with jax.named_scope("gin_mainloop"):
            lax.fori_loop(0, nsec, section, 0)
            drain_scatter((S - 1) % 2)
            plsc.subcore_barrier()

        with jax.named_scope("gin_wb"):
            pltpu.sync_copy(acc_sh.at[pl.ds(a0, acc_rows_per_tile)],
                            out_hbm.at[cid, pl.ds(a0, acc_rows_per_tile)])

    return sc_scatter


def kernel(x, edge_index, W1, b1, gamma, beta, W2, b2, eps):
    N, D = x.shape
    E = edge_index.shape[1]
    DH = D // 2
    C = 128
    S = 8
    K = 4

    n_pad = ((N + 8 * N_TILES - 1) // (8 * N_TILES)) * (8 * N_TILES)

    grain = N_TILES * C * S
    e_pad = ((E + grain - 1) // grain) * grain
    nchunk_total = e_pad // C
    NCH = nchunk_total // N_TILES
    src_flat = jnp.concatenate(
        [edge_index[0], jnp.zeros((e_pad - E,), jnp.int32)])
    dst_flat = jnp.concatenate(
        [edge_index[1], jnp.full((e_pad - E,), N, jnp.int32)])
    src = src_flat.reshape(nchunk_total, C)
    dst = dst_flat.reshape(nchunk_total, C)
    zeros = jnp.zeros((n_pad // N_TILES, DH), jnp.float32)

    rh = pl.pallas_call(
        _relu_body,
        out_shape=jax.ShapeDtypeStruct((2, N, DH), jnp.float32),
    )(x)

    partials = _make_sc_scatter(N, n_pad, DH, C, S, K, NCH)(rh, src, dst,
                                                            zeros)

    out = pl.pallas_call(
        _mlp_body,
        out_shape=jax.ShapeDtypeStruct((N, D), jnp.float32),
    )(x, partials, W1.T, b1.reshape(1, D), gamma.reshape(1, D),
      beta.reshape(1, D), W2.T, b2.reshape(1, D), eps.reshape(1, 1))
    return out

# --- scband reference (transcript-rebuilt; emitter-appended) ---
"""Pipeline reference for scband-ginconv-21930103014152 (READ-ONLY COPY).

The authoritative reference and input builder live on the scoring server;
editing this copy changes nothing except your own understanding.
"""

import jax, jax.numpy as jnp
import numpy as np

N_NODES = 10000
N_EDGES = 320000
EMB_DIM = 128


def setup_inputs(seed: int = 0) -> dict:
    key = jax.random.key(seed)
    ks = jax.random.split(key, 8)
    x = jax.random.normal(ks[0], (N_NODES, EMB_DIM), dtype=jnp.float32)
    edge_index = jax.random.randint(ks[1], (2, N_EDGES), 0, N_NODES, dtype=jnp.int32)
    # mlp = Linear(D,D) -> BatchNorm1d(D) -> ReLU -> Linear(D,D)
    lim = 1.0 / np.sqrt(EMB_DIM)
    W1 = jax.random.uniform(ks[2], (EMB_DIM, EMB_DIM), dtype=jnp.float32, minval=-lim, maxval=lim)
    b1 = jax.random.uniform(ks[3], (EMB_DIM,), dtype=jnp.float32, minval=-lim, maxval=lim)
    gamma = jnp.ones((EMB_DIM,), dtype=jnp.float32)
    beta = jnp.zeros((EMB_DIM,), dtype=jnp.float32)
    W2 = jax.random.uniform(ks[4], (EMB_DIM, EMB_DIM), dtype=jnp.float32, minval=-lim, maxval=lim)
    b2 = jax.random.uniform(ks[5], (EMB_DIM,), dtype=jnp.float32, minval=-lim, maxval=lim)
    eps = jnp.zeros((1,), dtype=jnp.float32)  # nn.Parameter(torch.Tensor([0]))
    return {"x": x, "edge_index": edge_index, "W1": W1, "b1": b1,
            "gamma": gamma, "beta": beta, "W2": W2, "b2": b2, "eps": eps}


def reference(x, edge_index, W1, b1, gamma, beta, W2, b2, eps):
    src = edge_index[0]
    dst = edge_index[1]
    # apply_edges(copy_u): m_e = x[src]; then relu on edge messages
    m = jax.nn.relu(jnp.take(x, src, axis=0))
    # update_all(copy_e, sum): scatter-add messages into dst nodes
    new_x = jax.ops.segment_sum(m, dst, num_segments=x.shape[0])
    h = (1.0 + eps) * x + new_x
    # mlp: Linear -> BatchNorm1d (training-mode batch stats) -> ReLU -> Linear
    h = h @ W1.T + b1
    mean = jnp.mean(h, axis=0)
    var = jnp.var(h, axis=0)  # biased variance, matches torch BN normalization
    h = (h - mean) / jnp.sqrt(var + 1e-5) * gamma + beta
    h = jax.nn.relu(h)
    out = h @ W2.T + b2
    return out

if __name__ == "__main__":
    import jax
    _d = setup_inputs()
    print(jax.jit(kernel)(*tuple(_d.values())))

</pallas_src>

<mosaic_0001>
#map = affine_map<(d0, d1) -> (0, 0, 0)>
#map1 = affine_map<(d0, d1) -> (0, 0)>
module attributes {stable_mosaic.version = 14 : i64} {
  func.func @sc_scatter(%arg0: i32, %arg1: i32, %arg2: memref<2x10000x64xf32, #tpu.memory_space<hbm>>, %arg3: memref<2560x128xi32, #tpu.memory_space<hbm>>, %arg4: memref<2560x128xi32, #tpu.memory_space<hbm>>, %arg5: memref<632x64xf32, #tpu.memory_space<hbm>>, %arg6: memref<2x10112x64xf32, #tpu.memory_space<hbm>>, %arg7: memref<2x8x128xi32, #tpu.memory_space<vmem>>, %arg8: memref<2x8x128xi32, #tpu.memory_space<vmem>>, %arg9: memref<4x128x64xf32, #tpu.memory_space<vmem>>, %arg10: memref<10000x64xf32, #tpu.memory_space<vmem_shared>>, %arg11: memref<10112x64xf32, #tpu.memory_space<vmem_shared>>, %arg12: memref<!tpu.dma_semaphore, #tpu.memory_space<semaphore_mem>>, %arg13: memref<!tpu.dma_semaphore, #tpu.memory_space<semaphore_mem>>, %arg14: memref<!tpu.dma_semaphore, #tpu.memory_space<semaphore_mem>>, %arg15: memref<!tpu.dma_semaphore, #tpu.memory_space<semaphore_mem>>, %arg16: memref<!tpu.dma_semaphore, #tpu.memory_space<semaphore_mem>>, %arg17: memref<!tpu.dma_semaphore, #tpu.memory_space<semaphore_mem>>, %arg18: memref<!tpu.dma_semaphore, #tpu.memory_space<semaphore_mem>>, %arg19: memref<!tpu.dma_semaphore, #tpu.memory_space<semaphore_mem>>) attributes {dimension_semantics = [#tpu.dimension_semantics<core_parallel>, #tpu.dimension_semantics<subcore_parallel>], iteration_bounds = array<i64: 2, 16>, scalar_prefetch = 0 : i64, scratch_operands = 13 : i64, tpu.core_type = #tpu.core_type<sc_vector_subcore>, window_params = [{transform_indices = #map}, {transform_indices = #map1}, {transform_indices = #map1}, {transform_indices = #map1}, {transform_indices = #map}]} {
    %mul3A = arith.constant 160 : i32
    %mul3A_0 = arith.muli %arg1, %mul3A : i32
    %mul3A_1 = arith.constant 632 : i32
    %mul3A_2 = arith.muli %arg1, %mul3A_1 : i32
    %mul3A_3 = arith.constant 625 : i32
    %mul3A_4 = arith.muli %arg1, %mul3A_3 : i32
    "tpu.trace_start"() <{level = 10 : i32, message = "gin_zinit"}> : () -> ()
    "tpu.region"() ({
      %run_scoped3A_78 = tpu.sem_alloc : memref<!tpu.dma_semaphore, #tpu.memory_space<semaphore_mem>>
      %dma_start3A_79 = arith.constant 0 : i32
      %dma_start3A_80 = tpu.memref_slice %arg10[%mul3A_4, %dma_start3A_79] : memref<10000x64xf32, #tpu.memory_space<vmem_shared>> -> memref<625x64xf32, #tpu.memory_space<vmem_shared>>
      %dma_start3A_81 = arith.constant 0 : i32
      %dma_start3A_82 = tpu.memref_slice %arg2[%arg0, %mul3A_4, %dma_start3A_81] : memref<2x10000x64xf32, #tpu.memory_space<hbm>> -> memref<1x625x64xf32, #tpu.memory_space<hbm>>
      %dma_start3A_83 = tpu.memref_squeeze %dma_start3A_82 : memref<1x625x64xf32, #tpu.memory_space<hbm>> -> memref<625x64xf32, #tpu.memory_space<hbm>>
      tpu.enqueue_dma source(%dma_start3A_83 : memref<625x64xf32, #tpu.memory_space<hbm>>) target(%dma_start3A_80 : memref<625x64xf32, #tpu.memory_space<vmem_shared>>) target_semaphore(%run_scoped3A_78 : memref<!tpu.dma_semaphore, #tpu.memory_space<semaphore_mem>>)
      %dma_wait3A_84 = arith.constant 0 : i32
      %dma_wait3A_85 = tpu.memref_slice %arg10[%mul3A_4, %dma_wait3A_84] : memref<10000x64xf32, #tpu.memory_space<vmem_shared>> -> memref<625x64xf32, #tpu.memory_space<vmem_shared>>
      %dma_wait3A_86 = arith.constant 0 : i32
      %dma_wait3A_87 = tpu.memref_slice %arg2[%arg0, %mul3A_4, %dma_wait3A_86] : memref<2x10000x64xf32, #tpu.memory_space<hbm>> -> memref<1x625x64xf32, #tpu.memory_space<hbm>>
      %dma_wait3A_88 = tpu.memref_squeeze %dma_wait3A_87 : memref<1x625x64xf32, #tpu.memory_space<hbm>> -> memref<625x64xf32, #tpu.memory_space<hbm>>
      tpu.wait_dma2 semaphore(%run_scoped3A_78 : memref<!tpu.dma_semaphore, #tpu.memory_space<semaphore_mem>>) src(%dma_wait3A_88 : memref<625x64xf32, #tpu.memory_space<hbm>>) dst(%dma_wait3A_85 : memref<625x64xf32, #tpu.memory_space<vmem_shared>>)
      tpu.yield
    }) : () -> ()
    "tpu.region"() ({
      %run_scoped3A_78 = tpu.sem_alloc : memref<!tpu.dma_semaphore, #tpu.memory_space<semaphore_mem>>
      %dma_start3A_79 = arith.constant 0 : i32
      %dma_start3A_80 = tpu.memref_slice %arg11[%mul3A_2, %dma_start3A_79] : memref<10112x64xf32, #tpu.memory_space<vmem_shared>> -> memref<632x64xf32, #tpu.memory_space<vmem_shared>>
      tpu.enqueue_dma source(%arg5 : memref<632x64xf32, #tpu.memory_space<hbm>>) target(%dma_start3A_80 : memref<632x64xf32, #tpu.memory_space<vmem_shared>>) target_semaphore(%run_scoped3A_78 : memref<!tpu.dma_semaphore, #tpu.memory_space<semaphore_mem>>)
      %dma_wait3A_81 = arith.constant 0 : i32
      %dma_wait3A_82 = tpu.memref_slice %arg11[%mul3A_2, %dma_wait3A_81] : memref<10112x64xf32, #tpu.memory_space<vmem_shared>> -> memref<632x64xf32, #tpu.memory_space<vmem_shared>>
      tpu.wait_dma2 semaphore(%run_scoped3A_78 : memref<!tpu.dma_semaphore, #tpu.memory_space<semaphore_mem>>) src(%arg5 : memref<632x64xf32, #tpu.memory_space<hbm>>) dst(%dma_wait3A_82 : memref<632x64xf32, #tpu.memory_space<vmem_shared>>)
      tpu.yield
    }) : () -> ()
    %run_scoped3A = arith.constant 0 : i32
    "tpu.region"() ({
      %run_scoped3A_78 = tpu.sem_alloc : memref<!tpu.dma_semaphore, #tpu.memory_space<semaphore_mem>>
      %dma_start3A_79 = arith.constant 0 : i32
      %dma_start3A_80 = arith.constant 0 : i32
      %dma_start3A_81 = tpu.memref_slice %arg7[%run_scoped3A, %dma_start3A_79, %dma_start3A_80] : memref<2x8x128xi32, #tpu.memory_space<vmem>> -> memref<1x8x128xi32, #tpu.memory_space<vmem>>
      %dma_start3A_82 = tpu.memref_squeeze %dma_start3A_81 : memref<1x8x128xi32, #tpu.memory_space<vmem>> -> memref<8x128xi32, #tpu.memory_space<vmem>>
      %dma_start3A_83 = arith.constant 0 : i32
      %dma_start3A_84 = tpu.memref_slice %arg3[%mul3A_0, %dma_start3A_83] : memref<2560x128xi32, #tpu.memory_space<hbm>> -> memref<8x128xi32, #tpu.memory_space<hbm>>
      %dma_start3A_85 = arith.constant 0 : i32
      %dma_start3A_86 = arith.constant 0 : i32
      %dma_start3A_87 = tpu.memref_slice %arg7[%run_scoped3A, %dma_start3A_85, %dma_start3A_86] : memref<2x8x128xi32, #tpu.memory_space<vmem>> -> memref<1x8x128xi32, #tpu.memory_space<vmem>>
      %dma_start3A_88 = tpu.memref_squeeze %dma_start3A_87 : memref<1x8x128xi32, #tpu.memory_space<vmem>> -> memref<8x128xi32, #tpu.memory_space<vmem>>
      %dma_start3A_89 = arith.constant 0 : i32
      %dma_start3A_90 = tpu.memref_slice %arg3[%mul3A_0, %dma_start3A_89] : memref<2560x128xi32, #tpu.memory_space<hbm>> -> memref<8x128xi32, #tpu.memory_space<hbm>>
      tpu.enqueue_dma source(%dma_start3A_90 : memref<8x128xi32, #tpu.memory_space<hbm>>) target(%dma_start3A_88 : memref<8x128xi32, #tpu.memory_space<vmem>>) target_semaphore(%run_scoped3A_78 : memref<!tpu.dma_semaphore, #tpu.memory_space<semaphore_mem>>)
      %dma_wait3A_91 = arith.constant 0 : i32
      %dma_wait3A_92 = arith.constant 0 : i32
      %dma_wait3A_93 = tpu.memref_slice %arg7[%run_scoped3A, %dma_wait3A_91, %dma_wait3A_92] : memref<2x8x128xi32, #tpu.memory_space<vmem>> -> memref<1x8x128xi32, #tpu.memory_space<vmem>>
      %dma_wait3A_94 = tpu.memref_squeeze %dma_wait3A_93 : memref<1x8x128xi32, #tpu.memory_space<vmem>> -> memref<8x128xi32, #tpu.memory_space<vmem>>
      %dma_wait3A_95 = arith.constant 0 : i32
      %dma_wait3A_96 = tpu.memref_slice %arg3[%mul3A_0, %dma_wait3A_95] : memref<2560x128xi32, #tpu.memory_space<hbm>> -> memref<8x128xi32, #tpu.memory_space<hbm>>
      %dma_wait3A_97 = arith.constant 0 : i32
      %dma_wait3A_98 = arith.constant 0 : i32
      %dma_wait3A_99 = tpu.memref_slice %arg7[%run_scoped3A, %dma_wait3A_97, %dma_wait3A_98] : memref<2x8x128xi32, #tpu.memory_space<vmem>> -> memref<1x8x128xi32, #tpu.memory_space<vmem>>
      %dma_wait3A_100 = tpu.memref_squeeze %dma_wait3A_99 : memref<1x8x128xi32, #tpu.memory_space<vmem>> -> memref<8x128xi32, #tpu.memory_space<vmem>>
      %dma_wait3A_101 = arith.constant 0 : i32
      %dma_wait3A_102 = tpu.memref_slice %arg3[%mul3A_0, %dma_wait3A_101] : memref<2560x128xi32, #tpu.memory_space<hbm>> -> memref<8x128xi32, #tpu.memory_space<hbm>>
      tpu.wait_dma2 semaphore(%run_scoped3A_78 : memref<!tpu.dma_semaphore, #tpu.memory_space<semaphore_mem>>) src(%dma_wait3A_102 : memref<8x128xi32, #tpu.memory_space<hbm>>) dst(%dma_wait3A_100 : memref<8x128xi32, #tpu.memory_space<vmem>>)
      tpu.yield
    }) : () -> ()
    %run_scoped3A_5 = arith.constant 0 : i32
    "tpu.region"() ({
      %run_scoped3A_78 = tpu.sem_alloc : memref<!tpu.dma_semaphore, #tpu.memory_space<semaphore_mem>>
      %dma_start3A_79 = arith.constant 0 : i32
      %dma_start3A_80 = arith.constant 0 : i32
      %dma_start3A_81 = tpu.memref_slice %arg8[%run_scoped3A_5, %dma_start3A_79, %dma_start3A_80] : memref<2x8x128xi32, #tpu.memory_space<vmem>> -> memref<1x8x128xi32, #tpu.memory_space<vmem>>
      %dma_start3A_82 = tpu.memref_squeeze %dma_start3A_81 : memref<1x8x128xi32, #tpu.memory_space<vmem>> -> memref<8x128xi32, #tpu.memory_space<vmem>>
      %dma_start3A_83 = arith.constant 0 : i32
      %dma_start3A_84 = tpu.memref_slice %arg4[%mul3A_0, %dma_start3A_83] : memref<2560x128xi32, #tpu.memory_space<hbm>> -> memref<8x128xi32, #tpu.memory_space<hbm>>
      %dma_start3A_85 = arith.constant 0 : i32
      %dma_start3A_86 = arith.constant 0 : i32
      %dma_start3A_87 = tpu.memref_slice %arg8[%run_scoped3A_5, %dma_start3A_85, %dma_start3A_86] : memref<2x8x128xi32, #tpu.memory_space<vmem>> -> memref<1x8x128xi32, #tpu.memory_space<vmem>>
      %dma_start3A_88 = tpu.memref_squeeze %dma_start3A_87 : memref<1x8x128xi32, #tpu.memory_space<vmem>> -> memref<8x128xi32, #tpu.memory_space<vmem>>
      %dma_start3A_89 = arith.constant 0 : i32
      %dma_start3A_90 = tpu.memref_slice %arg4[%mul3A_0, %dma_start3A_89] : memref<2560x128xi32, #tpu.memory_space<hbm>> -> memref<8x128xi32, #tpu.memory_space<hbm>>
      tpu.enqueue_dma source(%dma_start3A_90 : memref<8x128xi32, #tpu.memory_space<hbm>>) target(%dma_start3A_88 : memref<8x128xi32, #tpu.memory_space<vmem>>) target_semaphore(%run_scoped3A_78 : memref<!tpu.dma_semaphore, #tpu.memory_space<semaphore_mem>>)
      %dma_wait3A_91 = arith.constant 0 : i32
      %dma_wait3A_92 = arith.constant 0 : i32
      %dma_wait3A_93 = tpu.memref_slice %arg8[%run_scoped3A_5, %dma_wait3A_91, %dma_wait3A_92] : memref<2x8x128xi32, #tpu.memory_space<vmem>> -> memref<1x8x128xi32, #tpu.memory_space<vmem>>
      %dma_wait3A_94 = tpu.memref_squeeze %dma_wait3A_93 : memref<1x8x128xi32, #tpu.memory_space<vmem>> -> memref<8x128xi32, #tpu.memory_space<vmem>>
      %dma_wait3A_95 = arith.constant 0 : i32
      %dma_wait3A_96 = tpu.memref_slice %arg4[%mul3A_0, %dma_wait3A_95] : memref<2560x128xi32, #tpu.memory_space<hbm>> -> memref<8x128xi32, #tpu.memory_space<hbm>>
      %dma_wait3A_97 = arith.constant 0 : i32
      %dma_wait3A_98 = arith.constant 0 : i32
      %dma_wait3A_99 = tpu.memref_slice %arg8[%run_scoped3A_5, %dma_wait3A_97, %dma_wait3A_98] : memref<2x8x128xi32, #tpu.memory_space<vmem>> -> memref<1x8x128xi32, #tpu.memory_space<vmem>>
      %dma_wait3A_100 = tpu.memref_squeeze %dma_wait3A_99 : memref<1x8x128xi32, #tpu.memory_space<vmem>> -> memref<8x128xi32, #tpu.memory_space<vmem>>
      %dma_wait3A_101 = arith.constant 0 : i32
      %dma_wait3A_102 = tpu.memref_slice %arg4[%mul3A_0, %dma_wait3A_101] : memref<2560x128xi32, #tpu.memory_space<hbm>> -> memref<8x128xi32, #tpu.memory_space<hbm>>
      tpu.wait_dma2 semaphore(%run_scoped3A_78 : memref<!tpu.dma_semaphore, #tpu.memory_space<semaphore_mem>>) src(%dma_wait3A_102 : memref<8x128xi32, #tpu.memory_space<hbm>>) dst(%dma_wait3A_100 : memref<8x128xi32, #tpu.memory_space<vmem>>)
      tpu.yield
    }) : () -> ()
    %add3A = arith.constant 8 : i32
    %add3A_6 = arith.addi %mul3A_0, %add3A : i32
    %dma_start3A = arith.constant 1 : i32
    %dma_start3A_7 = arith.constant 0 : i32
    %dma_start3A_8 = arith.constant 0 : i32
    %dma_start3A_9 = tpu.memref_slice %arg7[%dma_start3A, %dma_start3A_7, %dma_start3A_8] : memref<2x8x128xi32, #tpu.memory_space<vmem>> -> memref<1x8x128xi32, #tpu.memory_space<vmem>>
    %dma_start3A_10 = tpu.memref_squeeze %dma_start3A_9 : memref<1x8x128xi32, #tpu.memory_space<vmem>> -> memref<8x128xi32, #tpu.memory_space<vmem>>
    %dma_start3A_11 = arith.constant 0 : i32
    %dma_start3A_12 = tpu.memref_slice %arg3[%add3A_6, %dma_start3A_11] : memref<2560x128xi32, #tpu.memory_space<hbm>> -> memref<8x128xi32, #tpu.memory_space<hbm>>
    %dma_start3A_13 = arith.constant 0 : i32
    %dma_start3A_14 = arith.constant 0 : i32
    %dma_start3A_15 = tpu.memref_slice %arg7[%dma_start3A, %dma_start3A_13, %dma_start3A_14] : memref<2x8x128xi32, #tpu.memory_space<vmem>> -> memref<1x8x128xi32, #tpu.memory_space<vmem>>
    %dma_start3A_16 = tpu.memref_squeeze %dma_start3A_15 : memref<1x8x128xi32, #tpu.memory_space<vmem>> -> memref<8x128xi32, #tpu.memory_space<vmem>>
    %dma_start3A_17 = arith.constant 0 : i32
    %dma_start3A_18 = tpu.memref_slice %arg3[%add3A_6, %dma_start3A_17] : memref<2560x128xi32, #tpu.memory_space<hbm>> -> memref<8x128xi32, #tpu.memory_space<hbm>>
    tpu.enqueue_dma source(%dma_start3A_18 : memref<8x128xi32, #tpu.memory_space<hbm>>) target(%dma_start3A_16 : memref<8x128xi32, #tpu.memory_space<vmem>>) target_semaphore(%arg18 : memref<!tpu.dma_semaphore, #tpu.memory_space<semaphore_mem>>)
    %add3A_19 = arith.constant 8 : i32
    %add3A_20 = arith.addi %mul3A_0, %add3A_19 : i32
    %dma_start3A_21 = arith.constant 1 : i32
    %dma_start3A_22 = arith.constant 0 : i32
    %dma_start3A_23 = arith.constant 0 : i32
    %dma_start3A_24 = tpu.memref_slice %arg8[%dma_start3A_21, %dma_start3A_22, %dma_start3A_23] : memref<2x8x128xi32, #tpu.memory_space<vmem>> -> memref<1x8x128xi32, #tpu.memory_space<vmem>>
    %dma_start3A_25 = tpu.memref_squeeze %dma_start3A_24 : memref<1x8x128xi32, #tpu.memory_space<vmem>> -> memref<8x128xi32, #tpu.memory_space<vmem>>
    %dma_start3A_26 = arith.constant 0 : i32
    %dma_start3A_27 = tpu.memref_slice %arg4[%add3A_20, %dma_start3A_26] : memref<2560x128xi32, #tpu.memory_space<hbm>> -> memref<8x128xi32, #tpu.memory_space<hbm>>
    %dma_start3A_28 = arith.constant 0 : i32
    %dma_start3A_29 = arith.constant 0 : i32
    %dma_start3A_30 = tpu.memref_slice %arg8[%dma_start3A_21, %dma_start3A_28, %dma_start3A_29] : memref<2x8x128xi32, #tpu.memory_space<vmem>> -> memref<1x8x128xi32, #tpu.memory_space<vmem>>
    %dma_start3A_31 = tpu.memref_squeeze %dma_start3A_30 : memref<1x8x128xi32, #tpu.memory_space<vmem>> -> memref<8x128xi32, #tpu.memory_space<vmem>>
    %dma_start3A_32 = arith.constant 0 : i32
    %dma_start3A_33 = tpu.memref_slice %arg4[%add3A_20, %dma_start3A_32] : memref<2560x128xi32, #tpu.memory_space<hbm>> -> memref<8x128xi32, #tpu.memory_space<hbm>>
    tpu.enqueue_dma source(%dma_start3A_33 : memref<8x128xi32, #tpu.memory_space<hbm>>) target(%dma_start3A_31 : memref<8x128xi32, #tpu.memory_space<vmem>>) target_semaphore(%arg19 : memref<!tpu.dma_semaphore, #tpu.memory_space<semaphore_mem>>)
    %barrier3A = arith.constant 0 : index
    tpu.barrier barrier_id(%barrier3A)
    %dma_start3A_34 = arith.constant 0 : i32
    %dma_start3A_35 = arith.constant 0 : i32
    %dma_start3A_36 = arith.constant 0 : i32
    "tpu.trace_stop"() : () -> ()
    %dma_start3A_37 = arith.constant 0 : i32
    %dma_start3A_38 = arith.constant 0 : i32
    %dma_start3A_39 = tpu.memref_slice %arg9[%dma_start3A_36, %dma_start3A_37, %dma_start3A_38] : memref<4x128x64xf32, #tpu.memory_space<vmem>> -> memref<1x128x64xf32, #tpu.memory_space<vmem>>
    %dma_start3A_40 = tpu.memref_squeeze %dma_start3A_39 : memref<1x128x64xf32, #tpu.memory_space<vmem>> -> memref<128x64xf32, #tpu.memory_space<vmem>>
    %dma_start3A_41 = arith.constant 0 : i32
    %dma_start3A_42 = tpu.memref_slice %arg7[%dma_start3A_34, %dma_start3A_35, %dma_start3A_41] : memref<2x8x128xi32, #tpu.memory_space<vmem>> -> memref<1x1x128xi32, #tpu.memory_space<vmem>>
    %dma_start3A_43 = tpu.memref_squeeze %dma_start3A_42 : memref<1x1x128xi32, #tpu.memory_space<vmem>> -> memref<128xi32, #tpu.memory_space<vmem>>
    %dma_start3A_44 = arith.constant 0 : i32
    %dma_start3A_45 = arith.constant 0 : i32
    %dma_start3A_46 = tpu.memref_slice %arg10[%dma_start3A_44, %dma_start3A_45] : memref<10000x64xf32, #tpu.memory_space<vmem_shared>> -> memref<10000x64xf32, #tpu.memory_space<vmem_shared>>
    tpu.enqueue_indirect_dma source(%dma_start3A_46 : memref<10000x64xf32, #tpu.memory_space<vmem_shared>>) target(%dma_start3A_40 : memref<128x64xf32, #tpu.memory_space<vmem>>) offsets(%dma_start3A_43 : memref<128xi32, #tpu.memory_space<vmem>>) semaphore(%arg12 : memref<!tpu.dma_semaphore, #tpu.memory_space<semaphore_mem>>)
    %dma_start3A_47 = arith.constant 0 : i32
    %dma_start3A_48 = arith.constant 1 : i32
    %dma_start3A_49 = arith.constant 1 : i32
    %dma_start3A_50 = arith.constant 0 : i32
    %dma_start3A_51 = arith.constant 0 : i32
    %dma_start3A_52 = tpu.memref_slice %arg9[%dma_start3A_49, %dma_start3A_50, %dma_start3A_51] : memref<4x128x64xf32, #tpu.memory_space<vmem>> -> memref<1x128x64xf32, #tpu.memory_space<vmem>>
    %dma_start3A_53 = tpu.memref_squeeze %dma_start3A_52 : memref<1x128x64xf32, #tpu.memory_space<vmem>> -> memref<128x64xf32, #tpu.memory_space<vmem>>
    %dma_start3A_54 = arith.constant 0 : i32
    %dma_start3A_55 = tpu.memref_slice %arg7[%dma_start3A_47, %dma_start3A_48, %dma_start3A_54] : memref<2x8x128xi32, #tpu.memory_space<vmem>> -> memref<1x1x128xi32, #tpu.memory_space<vmem>>
    %dma_start3A_56 = tpu.memref_squeeze %dma_start3A_55 : memref<1x1x128xi32, #tpu.memory_space<vmem>> -> memref<128xi32, #tpu.memory_space<vmem>>
    %dma_start3A_57 = arith.constant 0 : i32
    %dma_start3A_58 = arith.constant 0 : i32
    %dma_start3A_59 = tpu.memref_slice %arg10[%dma_start3A_57, %dma_start3A_58] : memref<10000x64xf32, #tpu.memory_space<vmem_shared>> -> memref<10000x64xf32, #tpu.memory_space<vmem_shared>>
    tpu.enqueue_indirect_dma source(%dma_start3A_59 : memref<10000x64xf32, #tpu.memory_space<vmem_shared>>) target(%dma_start3A_53 : memref<128x64xf32, #tpu.memory_space<vmem>>) offsets(%dma_start3A_56 : memref<128xi32, #tpu.memory_space<vmem>>) semaphore(%arg13 : memref<!tpu.dma_semaphore, #tpu.memory_space<semaphore_mem>>)
    "tpu.trace_start"() <{level = 10 : i32, message = "gin_mainloop"}> : () -> ()
    %scan3A = arith.constant 0 : i32
    %scan3A_60 = arith.constant 0 : i32
    %scan3A_61 = arith.constant 20 : i32
    %scan3A_62 = arith.addi %scan3A_60, %scan3A_61 : i32
    %scan3A_63 = arith.constant 1 : i32
    scf.for %scan3A_78 = %scan3A_60 to %scan3A_62 step %scan3A_63  : i32 {
      %jit3A = arith.constant 2 : i32
      %eq3A = arith.constant 0 : i32
      %eq3A_79 = arith.cmpi eq, %jit3A, %eq3A : i32
      %jit3A_80 = arith.constant 1 : i32
      %select_n3A = arith.select %eq3A_79, %jit3A_80, %jit3A : i32
      %rem3A = arith.remsi %scan3A_78, %select_n3A : i32
      %ne3A = arith.constant 0 : i32
      %ne3A_81 = arith.cmpi ne, %rem3A, %ne3A : i32
      %lt3A = arith.constant 0 : i32
      %lt3A_82 = arith.cmpi slt, %rem3A, %lt3A : i32
      %lt3A_83 = arith.constant 0 : i32
      %lt3A_84 = arith.cmpi slt, %select_n3A, %lt3A_83 : i32
      %ne3A_85 = arith.xori %lt3A_82, %lt3A_84 : i1
      %and3A = arith.andi %ne3A_85, %ne3A_81 : i1
      %add3A_86 = arith.addi %rem3A, %select_n3A : i32
      %select_n3A_87 = arith.select %and3A, %add3A_86, %rem3A : i32
      %add3A_88 = arith.constant 1 : i32
      %add3A_89 = arith.addi %scan3A_78, %add3A_88 : i32
      %jit3A_90 = arith.constant 2 : i32
      %eq3A_91 = arith.constant 0 : i32
      %eq3A_92 = arith.cmpi eq, %jit3A_90, %eq3A_91 : i32
      %jit3A_93 = arith.constant 1 : i32
      %select_n3A_94 = arith.select %eq3A_92, %jit3A_93, %jit3A_90 : i32
      %rem3A_95 = arith.remsi %add3A_89, %select_n3A_94 : i32
      %ne3A_96 = arith.constant 0 : i32
      %ne3A_97 = arith.cmpi ne, %rem3A_95, %ne3A_96 : i32
      %lt3A_98 = arith.constant 0 : i32
      %lt3A_99 = arith.cmpi slt, %rem3A_95, %lt3A_98 : i32
      %lt3A_100 = arith.constant 0 : i32
      %lt3A_101 = arith.cmpi slt, %select_n3A_94, %lt3A_100 : i32
      %ne3A_102 = arith.xori %lt3A_99, %lt3A_101 : i1
      %and3A_103 = arith.andi %ne3A_102, %ne3A_97 : i1
      %add3A_104 = arith.addi %rem3A_95, %select_n3A_94 : i32
      %select_n3A_105 = arith.select %and3A_103, %add3A_104, %rem3A_95 : i32
      %dma_wait3A_106 = arith.constant 0 : i32
      %dma_wait3A_107 = arith.constant 0 : i32
      %dma_wait3A_108 = arith.constant 0 : i32
      %dma_wait3A_109 = arith.constant 0 : i32
      %dma_wait3A_110 = tpu.memref_slice %arg9[%dma_wait3A_107, %dma_wait3A_108, %dma_wait3A_109] : memref<4x128x64xf32, #tpu.memory_space<vmem>> -> memref<1x128x64xf32, #tpu.memory_space<vmem>>
      %dma_wait3A_111 = tpu.memref_squeeze %dma_wait3A_110 : memref<1x128x64xf32, #tpu.memory_space<vmem>> -> memref<128x64xf32, #tpu.memory_space<vmem>>
      %dma_wait3A_112 = arith.constant 0 : i32
      %dma_wait3A_113 = tpu.memref_slice %arg7[%select_n3A_87, %dma_wait3A_106, %dma_wait3A_112] : memref<2x8x128xi32, #tpu.memory_space<vmem>> -> memref<1x1x128xi32, #tpu.memory_space<vmem>>
      %dma_wait3A_114 = tpu.memref_squeeze %dma_wait3A_113 : memref<1x1x128xi32, #tpu.memory_space<vmem>> -> memref<128xi32, #tpu.memory_space<vmem>>
      %dma_wait3A_115 = arith.constant 0 : i32
      %dma_wait3A_116 = arith.constant 0 : i32
      %dma_wait3A_117 = tpu.memref_slice %arg10[%dma_wait3A_115, %dma_wait3A_116] : memref<10000x64xf32, #tpu.memory_space<vmem_shared>> -> memref<10000x64xf32, #tpu.memory_space<vmem_shared>>
      tpu.wait_indirect_dma semaphore(%arg12 : memref<!tpu.dma_semaphore, #tpu.memory_space<semaphore_mem>>) src(%dma_wait3A_117 : memref<10000x64xf32, #tpu.memory_space<vmem_shared>>) dst(%dma_wait3A_111 : memref<128x64xf32, #tpu.memory_space<vmem>>)
      %gt3A = arith.constant 0 : i32
      %gt3A_118 = arith.cmpi sgt, %scan3A_78, %gt3A : i32
      %convert_element_type3A = arith.extui %gt3A_118 : i1 to i32
      %cond3A = arith.constant 0 : i32
      %cond3A_119 = arith.cmpi ne, %convert_element_type3A, %cond3A : i32
      scf.if %cond3A_119 {
        %dma_wait3A_491 = arith.constant 1 : i32
        %dma_wait3A_492 = arith.constant 0 : i32
        %dma_wait3A_493 = arith.constant 0 : i32
        %dma_wait3A_494 = arith.constant 0 : i32
        %dma_wait3A_495 = arith.constant 0 : i32
        %dma_wait3A_496 = tpu.memref_slice %arg9[%dma_wait3A_491, %dma_wait3A_494, %dma_wait3A_495] : memref<4x128x64xf32, #tpu.memory_space<vmem>> -> memref<1x128x64xf32, #tpu.memory_space<vmem>>
        %dma_wait3A_497 = tpu.memref_squeeze %dma_wait3A_496 : memref<1x128x64xf32, #tpu.memory_space<vmem>> -> memref<128x64xf32, #tpu.memory_space<vmem>>
        %dma_wait3A_498 = arith.constant 0 : i32
        %dma_wait3A_499 = tpu.memref_slice %arg8[%dma_wait3A_492, %dma_wait3A_493, %dma_wait3A_498] : memref<2x8x128xi32, #tpu.memory_space<vmem>> -> memref<1x1x128xi32, #tpu.memory_space<vmem>>
        %dma_wait3A_500 = tpu.memref_squeeze %dma_wait3A_499 : memref<1x1x128xi32, #tpu.memory_space<vmem>> -> memref<128xi32, #tpu.memory_space<vmem>>
        %dma_wait3A_501 = arith.constant 0 : i32
        %dma_wait3A_502 = arith.constant 0 : i32
        %dma_wait3A_503 = tpu.memref_slice %arg11[%dma_wait3A_501, %dma_wait3A_502] : memref<10112x64xf32, #tpu.memory_space<vmem_shared>> -> memref<10112x64xf32, #tpu.memory_space<vmem_shared>>
        tpu.wait_indirect_dma semaphore(%arg17 : memref<!tpu.dma_semaphore, #tpu.memory_space<semaphore_mem>>) src(%dma_wait3A_497 : memref<128x64xf32, #tpu.memory_space<vmem>>) dst(%dma_wait3A_503 : memref<10112x64xf32, #tpu.memory_space<vmem_shared>>)
      } else {
      }
      %dma_start3A_120 = arith.constant 0 : i32
      %dma_start3A_121 = arith.constant 0 : i32
      %dma_start3A_122 = arith.constant 0 : i32
      %dma_start3A_123 = arith.constant 0 : i32
      %dma_start3A_124 = tpu.memref_slice %arg9[%dma_start3A_120, %dma_start3A_122, %dma_start3A_123] : memref<4x128x64xf32, #tpu.memory_space<vmem>> -> memref<1x128x64xf32, #tpu.memory_space<vmem>>
      %dma_start3A_125 = tpu.memref_squeeze %dma_start3A_124 : memref<1x128x64xf32, #tpu.memory_space<vmem>> -> memref<128x64xf32, #tpu.memory_space<vmem>>
      %dma_start3A_126 = arith.constant 0 : i32
      %dma_start3A_127 = tpu.memref_slice %arg8[%select_n3A_87, %dma_start3A_121, %dma_start3A_126] : memref<2x8x128xi32, #tpu.memory_space<vmem>> -> memref<1x1x128xi32, #tpu.memory_space<vmem>>
      %dma_start3A_128 = tpu.memref_squeeze %dma_start3A_127 : memref<1x1x128xi32, #tpu.memory_space<vmem>> -> memref<128xi32, #tpu.memory_space<vmem>>
      %dma_start3A_129 = arith.constant 0 : i32
      %dma_start3A_130 = arith.constant 0 : i32
      %dma_start3A_131 = tpu.memref_slice %arg11[%dma_start3A_129, %dma_start3A_130] : memref<10112x64xf32, #tpu.memory_space<vmem_shared>> -> memref<10112x64xf32, #tpu.memory_space<vmem_shared>>
      tpu.enqueue_indirect_dma source(%dma_start3A_125 : memref<128x64xf32, #tpu.memory_space<vmem>>) target(%dma_start3A_131 : memref<10112x64xf32, #tpu.memory_space<vmem_shared>>) offsets(%dma_start3A_128 : memref<128xi32, #tpu.memory_space<vmem>>) semaphore(%arg16 : memref<!tpu.dma_semaphore, #tpu.memory_space<semaphore_mem>>) {add = true}
      %dma_start3A_132 = arith.constant 2 : i32
      %dma_start3A_133 = arith.constant 2 : i32
      %dma_start3A_134 = arith.constant 0 : i32
      %dma_start3A_135 = arith.constant 0 : i32
      %dma_start3A_136 = tpu.memref_slice %arg9[%dma_start3A_133, %dma_start3A_134, %dma_start3A_135] : memref<4x128x64xf32, #tpu.memory_space<vmem>> -> memref<1x128x64xf32, #tpu.memory_space<vmem>>
      %dma_start3A_137 = tpu.memref_squeeze %dma_start3A_136 : memref<1x128x64xf32, #tpu.memory_space<vmem>> -> memref<128x64xf32, #tpu.memory_space<vmem>>
      %dma_start3A_138 = arith.constant 0 : i32
      %dma_start3A_139 = tpu.memref_slice %arg7[%select_n3A_87, %dma_start3A_132, %dma_start3A_138] : memref<2x8x128xi32, #tpu.memory_space<vmem>> -> memref<1x1x128xi32, #tpu.memory_space<vmem>>
      %dma_start3A_140 = tpu.memref_squeeze %dma_start3A_139 : memref<1x1x128xi32, #tpu.memory_space<vmem>> -> memref<128xi32, #tpu.memory_space<vmem>>
      %dma_start3A_141 = arith.constant 0 : i32
      %dma_start3A_142 = arith.constant 0 : i32
      %dma_start3A_143 = tpu.memref_slice %arg10[%dma_start3A_141, %dma_start3A_142] : memref<10000x64xf32, #tpu.memory_space<vmem_shared>> -> memref<10000x64xf32, #tpu.memory_space<vmem_shared>>
      tpu.enqueue_indirect_dma source(%dma_start3A_143 : memref<10000x64xf32, #tpu.memory_space<vmem_shared>>) target(%dma_start3A_137 : memref<128x64xf32, #tpu.memory_space<vmem>>) offsets(%dma_start3A_140 : memref<128xi32, #tpu.memory_space<vmem>>) semaphore(%arg14 : memref<!tpu.dma_semaphore, #tpu.memory_space<semaphore_mem>>)
      %dma_wait3A_144 = arith.constant 1 : i32
      %dma_wait3A_145 = arith.constant 1 : i32
      %dma_wait3A_146 = arith.constant 0 : i32
      %dma_wait3A_147 = arith.constant 0 : i32
      %dma_wait3A_148 = tpu.memref_slice %arg9[%dma_wait3A_145, %dma_wait3A_146, %dma_wait3A_147] : memref<4x128x64xf32, #tpu.memory_space<vmem>> -> memref<1x128x64xf32, #tpu.memory_space<vmem>>
      %dma_wait3A_149 = tpu.memref_squeeze %dma_wait3A_148 : memref<1x128x64xf32, #tpu.memory_space<vmem>> -> memref<128x64xf32, #tpu.memory_space<vmem>>
      %dma_wait3A_150 = arith.constant 0 : i32
      %dma_wait3A_151 = tpu.memref_slice %arg7[%select_n3A_87, %dma_wait3A_144, %dma_wait3A_150] : memref<2x8x128xi32, #tpu.memory_space<vmem>> -> memref<1x1x128xi32, #tpu.memory_space<vmem>>
      %dma_wait3A_152 = tpu.memref_squeeze %dma_wait3A_151 : memref<1x1x128xi32, #tpu.memory_space<vmem>> -> memref<128xi32, #tpu.memory_space<vmem>>
      %dma_wait3A_153 = arith.constant 0 : i32
      %dma_wait3A_154 = arith.constant 0 : i32
      %dma_wait3A_155 = tpu.memref_slice %arg10[%dma_wait3A_153, %dma_wait3A_154] : memref<10000x64xf32, #tpu.memory_space<vmem_shared>> -> memref<10000x64xf32, #tpu.memory_space<vmem_shared>>
      tpu.wait_indirect_dma semaphore(%arg13 : memref<!tpu.dma_semaphore, #tpu.memory_space<semaphore_mem>>) src(%dma_wait3A_155 : memref<10000x64xf32, #tpu.memory_space<vmem_shared>>) dst(%dma_wait3A_149 : memref<128x64xf32, #tpu.memory_space<vmem>>)
      %dma_wait3A_156 = arith.constant 0 : i32
      %dma_wait3A_157 = arith.constant 0 : i32
      %dma_wait3A_158 = arith.constant 0 : i32
      %dma_wait3A_159 = arith.constant 0 : i32
      %dma_wait3A_160 = arith.constant 0 : i32
      %dma_wait3A_161 = tpu.memref_slice %arg9[%dma_wait3A_156, %dma_wait3A_159, %dma_wait3A_160] : memref<4x128x64xf32, #tpu.memory_space<vmem>> -> memref<1x128x64xf32, #tpu.memory_space<vmem>>
      %dma_wait3A_162 = tpu.memref_squeeze %dma_wait3A_161 : memref<1x128x64xf32, #tpu.memory_space<vmem>> -> memref<128x64xf32, #tpu.memory_space<vmem>>
      %dma_wait3A_163 = arith.constant 0 : i32
      %dma_wait3A_164 = tpu.memref_slice %arg8[%dma_wait3A_157, %dma_wait3A_158, %dma_wait3A_163] : memref<2x8x128xi32, #tpu.memory_space<vmem>> -> memref<1x1x128xi32, #tpu.memory_space<vmem>>
      %dma_wait3A_165 = tpu.memref_squeeze %dma_wait3A_164 : memref<1x1x128xi32, #tpu.memory_space<vmem>> -> memref<128xi32, #tpu.memory_space<vmem>>
      %dma_wait3A_166 = arith.constant 0 : i32
      %dma_wait3A_167 = arith.constant 0 : i32
      %dma_wait3A_168 = tpu.memref_slice %arg11[%dma_wait3A_166, %dma_wait3A_167] : memref<10112x64xf32, #tpu.memory_space<vmem_shared>> -> memref<10112x64xf32, #tpu.memory_space<vmem_shared>>
      tpu.wait_indirect_dma semaphore(%arg16 : memref<!tpu.dma_semaphore, #tpu.memory_space<semaphore_mem>>) src(%dma_wait3A_162 : memref<128x64xf32, #tpu.memory_space<vmem>>) dst(%dma_wait3A_168 : memref<10112x64xf32, #tpu.memory_space<vmem_shared>>)
      %dma_start3A_169 = arith.constant 1 : i32
      %dma_start3A_170 = arith.constant 1 : i32
      %dma_start3A_171 = arith.constant 0 : i32
      %dma_start3A_172 = arith.constant 0 : i32
      %dma_start3A_173 = tpu.memref_slice %arg9[%dma_start3A_169, %dma_start3A_171, %dma_start3A_172] : memref<4x128x64xf32, #tpu.memory_space<vmem>> -> memref<1x128x64xf32, #tpu.memory_space<vmem>>
      %dma_start3A_174 = tpu.memref_squeeze %dma_start3A_173 : memref<1x128x64xf32, #tpu.memory_space<vmem>> -> memref<128x64xf32, #tpu.memory_space<vmem>>
      %dma_start3A_175 = arith.constant 0 : i32
      %dma_start3A_176 = tpu.memref_slice %arg8[%select_n3A_87, %dma_start3A_170, %dma_start3A_175] : memref<2x8x128xi32, #tpu.memory_space<vmem>> -> memref<1x1x128xi32, #tpu.memory_space<vmem>>
      %dma_start3A_177 = tpu.memref_squeeze %dma_start3A_176 : memref<1x1x128xi32, #tpu.memory_space<vmem>> -> memref<128xi32, #tpu.memory_space<vmem>>
      %dma_start3A_178 = arith.constant 0 : i32
      %dma_start3A_179 = arith.constant 0 : i32
      %dma_start3A_180 = tpu.memref_slice %arg11[%dma_start3A_178, %dma_start3A_179] : memref<10112x64xf32, #tpu.memory_space<vmem_shared>> -> memref<10112x64xf32, #tpu.memory_space<vmem_shared>>
      tpu.enqueue_indirect_dma source(%dma_start3A_174 : memref<128x64xf32, #tpu.memory_space<vmem>>) target(%dma_start3A_180 : memref<10112x64xf32, #tpu.memory_space<vmem_shared>>) offsets(%dma_start3A_177 : memref<128xi32, #tpu.memory_space<vmem>>) semaphore(%arg17 : memref<!tpu.dma_semaphore, #tpu.memory_space<semaphore_mem>>) {add = true}
      %dma_start3A_181 = arith.constant 3 : i32
      %dma_start3A_182 = arith.constant 3 : i32
      %dma_start3A_183 = arith.constant 0 : i32
      %dma_start3A_184 = arith.constant 0 : i32
      %dma_start3A_185 = tpu.memref_slice %arg9[%dma_start3A_182, %dma_start3A_183, %dma_start3A_184] : memref<4x128x64xf32, #tpu.memory_space<vmem>> -> memref<1x128x64xf32, #tpu.memory_space<vmem>>
      %dma_start3A_186 = tpu.memref_squeeze %dma_start3A_185 : memref<1x128x64xf32, #tpu.memory_space<vmem>> -> memref<128x64xf32, #tpu.memory_space<vmem>>
      %dma_start3A_187 = arith.constant 0 : i32
      %dma_start3A_188 = tpu.memref_slice %arg7[%select_n3A_87, %dma_start3A_181, %dma_start3A_187] : memref<2x8x128xi32, #tpu.memory_space<vmem>> -> memref<1x1x128xi32, #tpu.memory_space<vmem>>
      %dma_start3A_189 = tpu.memref_squeeze %dma_start3A_188 : memref<1x1x128xi32, #tpu.memory_space<vmem>> -> memref<128xi32, #tpu.memory_space<vmem>>
      %dma_start3A_190 = arith.constant 0 : i32
      %dma_start3A_191 = arith.constant 0 : i32
      %dma_start3A_192 = tpu.memref_slice %arg10[%dma_start3A_190, %dma_start3A_191] : memref<10000x64xf32, #tpu.memory_space<vmem_shared>> -> memref<10000x64xf32, #tpu.memory_space<vmem_shared>>
      tpu.enqueue_indirect_dma source(%dma_start3A_192 : memref<10000x64xf32, #tpu.memory_space<vmem_shared>>) target(%dma_start3A_186 : memref<128x64xf32, #tpu.memory_space<vmem>>) offsets(%dma_start3A_189 : memref<128xi32, #tpu.memory_space<vmem>>) semaphore(%arg15 : memref<!tpu.dma_semaphore, #tpu.memory_space<semaphore_mem>>)
      %dma_wait3A_193 = arith.constant 2 : i32
      %dma_wait3A_194 = arith.constant 2 : i32
      %dma_wait3A_195 = arith.constant 0 : i32
      %dma_wait3A_196 = arith.constant 0 : i32
      %dma_wait3A_197 = tpu.memref_slice %arg9[%dma_wait3A_194, %dma_wait3A_195, %dma_wait3A_196] : memref<4x128x64xf32, #tpu.memory_space<vmem>> -> memref<1x128x64xf32, #tpu.memory_space<vmem>>
      %dma_wait3A_198 = tpu.memref_squeeze %dma_wait3A_197 : memref<1x128x64xf32, #tpu.memory_space<vmem>> -> memref<128x64xf32, #tpu.memory_space<vmem>>
      %dma_wait3A_199 = arith.constant 0 : i32
      %dma_wait3A_200 = tpu.memref_slice %arg7[%select_n3A_87, %dma_wait3A_193, %dma_wait3A_199] : memref<2x8x128xi32, #tpu.memory_space<vmem>> -> memref<1x1x128xi32, #tpu.memory_space<vmem>>
      %dma_wait3A_201 = tpu.memref_squeeze %dma_wait3A_200 : memref<1x1x128xi32, #tpu.memory_space<vmem>> -> memref<128xi32, #tpu.memory_space<vmem>>
      %dma_wait3A_202 = arith.constant 0 : i32
      %dma_wait3A_203 = arith.constant 0 : i32
      %dma_wait3A_204 = tpu.memref_slice %arg10[%dma_wait3A_202, %dma_wait3A_203] : memref<10000x64xf32, #tpu.memory_space<vmem_shared>> -> memref<10000x64xf32, #tpu.memory_space<vmem_shared>>
      tpu.wait_indirect_dma semaphore(%arg14 : memref<!tpu.dma_semaphore, #tpu.memory_space<semaphore_mem>>) src(%dma_wait3A_204 : memref<10000x64xf32, #tpu.memory_space<vmem_shared>>) dst(%dma_wait3A_198 : memref<128x64xf32, #tpu.memory_space<vmem>>)
      %dma_wait3A_205 = arith.constant 1 : i32
      %dma_wait3A_206 = arith.constant 0 : i32
      %dma_wait3A_207 = arith.constant 0 : i32
      %dma_wait3A_208 = arith.constant 0 : i32
      %dma_wait3A_209 = arith.constant 0 : i32
      %dma_wait3A_210 = tpu.memref_slice %arg9[%dma_wait3A_205, %dma_wait3A_208, %dma_wait3A_209] : memref<4x128x64xf32, #tpu.memory_space<vmem>> -> memref<1x128x64xf32, #tpu.memory_space<vmem>>
      %dma_wait3A_211 = tpu.memref_squeeze %dma_wait3A_210 : memref<1x128x64xf32, #tpu.memory_space<vmem>> -> memref<128x64xf32, #tpu.memory_space<vmem>>
      %dma_wait3A_212 = arith.constant 0 : i32
      %dma_wait3A_213 = tpu.memref_slice %arg8[%dma_wait3A_206, %dma_wait3A_207, %dma_wait3A_212] : memref<2x8x128xi32, #tpu.memory_space<vmem>> -> memref<1x1x128xi32, #tpu.memory_space<vmem>>
      %dma_wait3A_214 = tpu.memref_squeeze %dma_wait3A_213 : memref<1x1x128xi32, #tpu.memory_space<vmem>> -> memref<128xi32, #tpu.memory_space<vmem>>
      %dma_wait3A_215 = arith.constant 0 : i32
      %dma_wait3A_216 = arith.constant 0 : i32
      %dma_wait3A_217 = tpu.memref_slice %arg11[%dma_wait3A_215, %dma_wait3A_216] : memref<10112x64xf32, #tpu.memory_space<vmem_shared>> -> memref<10112x64xf32, #tpu.memory_space<vmem_shared>>
      tpu.wait_indirect_dma semaphore(%arg17 : memref<!tpu.dma_semaphore, #tpu.memory_space<semaphore_mem>>) src(%dma_wait3A_211 : memref<128x64xf32, #tpu.memory_space<vmem>>) dst(%dma_wait3A_217 : memref<10112x64xf32, #tpu.memory_space<vmem_shared>>)
      %dma_start3A_218 = arith.constant 2 : i32
      %dma_start3A_219 = arith.constant 2 : i32
      %dma_start3A_220 = arith.constant 0 : i32
      %dma_start3A_221 = arith.constant 0 : i32
      %dma_start3A_222 = tpu.memref_slice %arg9[%dma_start3A_218, %dma_start3A_220, %dma_start3A_221] : memref<4x128x64xf32, #tpu.memory_space<vmem>> -> memref<1x128x64xf32, #tpu.memory_space<vmem>>
      %dma_start3A_223 = tpu.memref_squeeze %dma_start3A_222 : memref<1x128x64xf32, #tpu.memory_space<vmem>> -> memref<128x64xf32, #tpu.memory_space<vmem>>
      %dma_start3A_224 = arith.constant 0 : i32
      %dma_start3A_225 = tpu.memref_slice %arg8[%select_n3A_87, %dma_start3A_219, %dma_start3A_224] : memref<2x8x128xi32, #tpu.memory_space<vmem>> -> memref<1x1x128xi32, #tpu.memory_space<vmem>>
      %dma_start3A_226 = tpu.memref_squeeze %dma_start3A_225 : memref<1x1x128xi32, #tpu.memory_space<vmem>> -> memref<128xi32, #tpu.memory_space<vmem>>
      %dma_start3A_227 = arith.constant 0 : i32
      %dma_start3A_228 = arith.constant 0 : i32
      %dma_start3A_229 = tpu.memref_slice %arg11[%dma_start3A_227, %dma_start3A_228] : memref<10112x64xf32, #tpu.memory_space<vmem_shared>> -> memref<10112x64xf32, #tpu.memory_space<vmem_shared>>
      tpu.enqueue_indirect_dma source(%dma_start3A_223 : memref<128x64xf32, #tpu.memory_space<vmem>>) target(%dma_start3A_229 : memref<10112x64xf32, #tpu.memory_space<vmem_shared>>) offsets(%dma_start3A_226 : memref<128xi32, #tpu.memory_space<vmem>>) semaphore(%arg16 : memref<!tpu.dma_semaphore, #tpu.memory_space<semaphore_mem>>) {add = true}
      %dma_start3A_230 = arith.constant 4 : i32
      %dma_start3A_231 = arith.constant 0 : i32
      %dma_start3A_232 = arith.constant 0 : i32
      %dma_start3A_233 = arith.constant 0 : i32
      %dma_start3A_234 = tpu.memref_slice %arg9[%dma_start3A_231, %dma_start3A_232, %dma_start3A_233] : memref<4x128x64xf32, #tpu.memory_space<vmem>> -> memref<1x128x64xf32, #tpu.memory_space<vmem>>
      %dma_start3A_235 = tpu.memref_squeeze %dma_start3A_234 : memref<1x128x64xf32, #tpu.memory_space<vmem>> -> memref<128x64xf32, #tpu.memory_space<vmem>>
      %dma_start3A_236 = arith.constant 0 : i32
      %dma_start3A_237 = tpu.memref_slice %arg7[%select_n3A_87, %dma_start3A_230, %dma_start3A_236] : memref<2x8x128xi32, #tpu.memory_space<vmem>> -> memref<1x1x128xi32, #tpu.memory_space<vmem>>
      %dma_start3A_238 = tpu.memref_squeeze %dma_start3A_237 : memref<1x1x128xi32, #tpu.memory_space<vmem>> -> memref<128xi32, #tpu.memory_space<vmem>>
      %dma_start3A_239 = arith.constant 0 : i32
      %dma_start3A_240 = arith.constant 0 : i32
      %dma_start3A_241 = tpu.memref_slice %arg10[%dma_start3A_239, %dma_start3A_240] : memref<10000x64xf32, #tpu.memory_space<vmem_shared>> -> memref<10000x64xf32, #tpu.memory_space<vmem_shared>>
      tpu.enqueue_indirect_dma source(%dma_start3A_241 : memref<10000x64xf32, #tpu.memory_space<vmem_shared>>) target(%dma_start3A_235 : memref<128x64xf32, #tpu.memory_space<vmem>>) offsets(%dma_start3A_238 : memref<128xi32, #tpu.memory_space<vmem>>) semaphore(%arg12 : memref<!tpu.dma_semaphore, #tpu.memory_space<semaphore_mem>>)
      %dma_wait3A_242 = arith.constant 3 : i32
      %dma_wait3A_243 = arith.constant 3 : i32
      %dma_wait3A_244 = arith.constant 0 : i32
      %dma_wait3A_245 = arith.constant 0 : i32
      %dma_wait3A_246 = tpu.memref_slice %arg9[%dma_wait3A_243, %dma_wait3A_244, %dma_wait3A_245] : memref<4x128x64xf32, #tpu.memory_space<vmem>> -> memref<1x128x64xf32, #tpu.memory_space<vmem>>
      %dma_wait3A_247 = tpu.memref_squeeze %dma_wait3A_246 : memref<1x128x64xf32, #tpu.memory_space<vmem>> -> memref<128x64xf32, #tpu.memory_space<vmem>>
      %dma_wait3A_248 = arith.constant 0 : i32
      %dma_wait3A_249 = tpu.memref_slice %arg7[%select_n3A_87, %dma_wait3A_242, %dma_wait3A_248] : memref<2x8x128xi32, #tpu.memory_space<vmem>> -> memref<1x1x128xi32, #tpu.memory_space<vmem>>
      %dma_wait3A_250 = tpu.memref_squeeze %dma_wait3A_249 : memref<1x1x128xi32, #tpu.memory_space<vmem>> -> memref<128xi32, #tpu.memory_space<vmem>>
      %dma_wait3A_251 = arith.constant 0 : i32
      %dma_wait3A_252 = arith.constant 0 : i32
      %dma_wait3A_253 = tpu.memref_slice %arg10[%dma_wait3A_251, %dma_wait3A_252] : memref<10000x64xf32, #tpu.memory_space<vmem_shared>> -> memref<10000x64xf32, #tpu.memory_space<vmem_shared>>
      tpu.wait_indirect_dma semaphore(%arg15 : memref<!tpu.dma_semaphore, #tpu.memory_space<semaphore_mem>>) src(%dma_wait3A_253 : memref<10000x64xf32, #tpu.memory_space<vmem_shared>>) dst(%dma_wait3A_247 : memref<128x64xf32, #tpu.memory_space<vmem>>)
      %dma_wait3A_254 = arith.constant 0 : i32
      %dma_wait3A_255 = arith.constant 0 : i32
      %dma_wait3A_256 = arith.constant 0 : i32
      %dma_wait3A_257 = arith.constant 0 : i32
      %dma_wait3A_258 = arith.constant 0 : i32
      %dma_wait3A_259 = tpu.memref_slice %arg9[%dma_wait3A_254, %dma_wait3A_257, %dma_wait3A_258] : memref<4x128x64xf32, #tpu.memory_space<vmem>> -> memref<1x128x64xf32, #tpu.memory_space<vmem>>
      %dma_wait3A_260 = tpu.memref_squeeze %dma_wait3A_259 : memref<1x128x64xf32, #tpu.memory_space<vmem>> -> memref<128x64xf32, #tpu.memory_space<vmem>>
      %dma_wait3A_261 = arith.constant 0 : i32
      %dma_wait3A_262 = tpu.memref_slice %arg8[%dma_wait3A_255, %dma_wait3A_256, %dma_wait3A_261] : memref<2x8x128xi32, #tpu.memory_space<vmem>> -> memref<1x1x128xi32, #tpu.memory_space<vmem>>
      %dma_wait3A_263 = tpu.memref_squeeze %dma_wait3A_262 : memref<1x1x128xi32, #tpu.memory_space<vmem>> -> memref<128xi32, #tpu.memory_space<vmem>>
      %dma_wait3A_264 = arith.constant 0 : i32
      %dma_wait3A_265 = arith.constant 0 : i32
      %dma_wait3A_266 = tpu.memref_slice %arg11[%dma_wait3A_264, %dma_wait3A_265] : memref<10112x64xf32, #tpu.memory_space<vmem_shared>> -> memref<10112x64xf32, #tpu.memory_space<vmem_shared>>
      tpu.wait_indirect_dma semaphore(%arg16 : memref<!tpu.dma_semaphore, #tpu.memory_space<semaphore_mem>>) src(%dma_wait3A_260 : memref<128x64xf32, #tpu.memory_space<vmem>>) dst(%dma_wait3A_266 : memref<10112x64xf32, #tpu.memory_space<vmem_shared>>)
      %dma_start3A_267 = arith.constant 3 : i32
      %dma_start3A_268 = arith.constant 3 : i32
      %dma_start3A_269 = arith.constant 0 : i32
      %dma_start3A_270 = arith.constant 0 : i32
      %dma_start3A_271 = tpu.memref_slice %arg9[%dma_start3A_267, %dma_start3A_269, %dma_start3A_270] : memref<4x128x64xf32, #tpu.memory_space<vmem>> -> memref<1x128x64xf32, #tpu.memory_space<vmem>>
      %dma_start3A_272 = tpu.memref_squeeze %dma_start3A_271 : memref<1x128x64xf32, #tpu.memory_space<vmem>> -> memref<128x64xf32, #tpu.memory_space<vmem>>
      %dma_start3A_273 = arith.constant 0 : i32
      %dma_start3A_274 = tpu.memref_slice %arg8[%select_n3A_87, %dma_start3A_268, %dma_start3A_273] : memref<2x8x128xi32, #tpu.memory_space<vmem>> -> memref<1x1x128xi32, #tpu.memory_space<vmem>>
      %dma_start3A_275 = tpu.memref_squeeze %dma_start3A_274 : memref<1x1x128xi32, #tpu.memory_space<vmem>> -> memref<128xi32, #tpu.memory_space<vmem>>
      %dma_start3A_276 = arith.constant 0 : i32
      %dma_start3A_277 = arith.constant 0 : i32
      %dma_start3A_278 = tpu.memref_slice %arg11[%dma_start3A_276, %dma_start3A_277] : memref<10112x64xf32, #tpu.memory_space<vmem_shared>> -> memref<10112x64xf32, #tpu.memory_space<vmem_shared>>
      tpu.enqueue_indirect_dma source(%dma_start3A_272 : memref<128x64xf32, #tpu.memory_space<vmem>>) target(%dma_start3A_278 : memref<10112x64xf32, #tpu.memory_space<vmem_shared>>) offsets(%dma_start3A_275 : memref<128xi32, #tpu.memory_space<vmem>>) semaphore(%arg17 : memref<!tpu.dma_semaphore, #tpu.memory_space<semaphore_mem>>) {add = true}
      %dma_start3A_279 = arith.constant 5 : i32
      %dma_start3A_280 = arith.constant 1 : i32
      %dma_start3A_281 = arith.constant 0 : i32
      %dma_start3A_282 = arith.constant 0 : i32
      %dma_start3A_283 = tpu.memref_slice %arg9[%dma_start3A_280, %dma_start3A_281, %dma_start3A_282] : memref<4x128x64xf32, #tpu.memory_space<vmem>> -> memref<1x128x64xf32, #tpu.memory_space<vmem>>
      %dma_start3A_284 = tpu.memref_squeeze %dma_start3A_283 : memref<1x128x64xf32, #tpu.memory_space<vmem>> -> memref<128x64xf32, #tpu.memory_space<vmem>>
      %dma_start3A_285 = arith.constant 0 : i32
      %dma_start3A_286 = tpu.memref_slice %arg7[%select_n3A_87, %dma_start3A_279, %dma_start3A_285] : memref<2x8x128xi32, #tpu.memory_space<vmem>> -> memref<1x1x128xi32, #tpu.memory_space<vmem>>
      %dma_start3A_287 = tpu.memref_squeeze %dma_start3A_286 : memref<1x1x128xi32, #tpu.memory_space<vmem>> -> memref<128xi32, #tpu.memory_space<vmem>>
      %dma_start3A_288 = arith.constant 0 : i32
      %dma_start3A_289 = arith.constant 0 : i32
      %dma_start3A_290 = tpu.memref_slice %arg10[%dma_start3A_288, %dma_start3A_289] : memref<10000x64xf32, #tpu.memory_space<vmem_shared>> -> memref<10000x64xf32, #tpu.memory_space<vmem_shared>>
      tpu.enqueue_indirect_dma source(%dma_start3A_290 : memref<10000x64xf32, #tpu.memory_space<vmem_shared>>) target(%dma_start3A_284 : memref<128x64xf32, #tpu.memory_space<vmem>>) offsets(%dma_start3A_287 : memref<128xi32, #tpu.memory_space<vmem>>) semaphore(%arg13 : memref<!tpu.dma_semaphore, #tpu.memory_space<semaphore_mem>>)
      %dma_wait3A_291 = arith.constant 4 : i32
      %dma_wait3A_292 = arith.constant 0 : i32
      %dma_wait3A_293 = arith.constant 0 : i32
      %dma_wait3A_294 = arith.constant 0 : i32
      %dma_wait3A_295 = tpu.memref_slice %arg9[%dma_wait3A_292, %dma_wait3A_293, %dma_wait3A_294] : memref<4x128x64xf32, #tpu.memory_space<vmem>> -> memref<1x128x64xf32, #tpu.memory_space<vmem>>
      %dma_wait3A_296 = tpu.memref_squeeze %dma_wait3A_295 : memref<1x128x64xf32, #tpu.memory_space<vmem>> -> memref<128x64xf32, #tpu.memory_space<vmem>>
      %dma_wait3A_297 = arith.constant 0 : i32
      %dma_wait3A_298 = tpu.memref_slice %arg7[%select_n3A_87, %dma_wait3A_291, %dma_wait3A_297] : memref<2x8x128xi32, #tpu.memory_space<vmem>> -> memref<1x1x128xi32, #tpu.memory_space<vmem>>
      %dma_wait3A_299 = tpu.memref_squeeze %dma_wait3A_298 : memref<1x1x128xi32, #tpu.memory_space<vmem>> -> memref<128xi32, #tpu.memory_space<vmem>>
      %dma_wait3A_300 = arith.constant 0 : i32
      %dma_wait3A_301 = arith.constant 0 : i32
      %dma_wait3A_302 = tpu.memref_slice %arg10[%dma_wait3A_300, %dma_wait3A_301] : memref<10000x64xf32, #tpu.memory_space<vmem_shared>> -> memref<10000x64xf32, #tpu.memory_space<vmem_shared>>
      tpu.wait_indirect_dma semaphore(%arg12 : memref<!tpu.dma_semaphore, #tpu.memory_space<semaphore_mem>>) src(%dma_wait3A_302 : memref<10000x64xf32, #tpu.memory_space<vmem_shared>>) dst(%dma_wait3A_296 : memref<128x64xf32, #tpu.memory_space<vmem>>)
      %dma_wait3A_303 = arith.constant 1 : i32
      %dma_wait3A_304 = arith.constant 0 : i32
      %dma_wait3A_305 = arith.constant 0 : i32
      %dma_wait3A_306 = arith.constant 0 : i32
      %dma_wait3A_307 = arith.constant 0 : i32
      %dma_wait3A_308 = tpu.memref_slice %arg9[%dma_wait3A_303, %dma_wait3A_306, %dma_wait3A_307] : memref<4x128x64xf32, #tpu.memory_space<vmem>> -> memref<1x128x64xf32, #tpu.memory_space<vmem>>
      %dma_wait3A_309 = tpu.memref_squeeze %dma_wait3A_308 : memref<1x128x64xf32, #tpu.memory_space<vmem>> -> memref<128x64xf32, #tpu.memory_space<vmem>>
      %dma_wait3A_310 = arith.constant 0 : i32
      %dma_wait3A_311 = tpu.memref_slice %arg8[%dma_wait3A_304, %dma_wait3A_305, %dma_wait3A_310] : memref<2x8x128xi32, #tpu.memory_space<vmem>> -> memref<1x1x128xi32, #tpu.memory_space<vmem>>
      %dma_wait3A_312 = tpu.memref_squeeze %dma_wait3A_311 : memref<1x1x128xi32, #tpu.memory_space<vmem>> -> memref<128xi32, #tpu.memory_space<vmem>>
      %dma_wait3A_313 = arith.constant 0 : i32
      %dma_wait3A_314 = arith.constant 0 : i32
      %dma_wait3A_315 = tpu.memref_slice %arg11[%dma_wait3A_313, %dma_wait3A_314] : memref<10112x64xf32, #tpu.memory_space<vmem_shared>> -> memref<10112x64xf32, #tpu.memory_space<vmem_shared>>
      tpu.wait_indirect_dma semaphore(%arg17 : memref<!tpu.dma_semaphore, #tpu.memory_space<semaphore_mem>>) src(%dma_wait3A_309 : memref<128x64xf32, #tpu.memory_space<vmem>>) dst(%dma_wait3A_315 : memref<10112x64xf32, #tpu.memory_space<vmem_shared>>)
      %dma_start3A_316 = arith.constant 0 : i32
      %dma_start3A_317 = arith.constant 4 : i32
      %dma_start3A_318 = arith.constant 0 : i32
      %dma_start3A_319 = arith.constant 0 : i32
      %dma_start3A_320 = tpu.memref_slice %arg9[%dma_start3A_316, %dma_start3A_318, %dma_start3A_319] : memref<4x128x64xf32, #tpu.memory_space<vmem>> -> memref<1x128x64xf32, #tpu.memory_space<vmem>>
      %dma_start3A_321 = tpu.memref_squeeze %dma_start3A_320 : memref<1x128x64xf32, #tpu.memory_space<vmem>> -> memref<128x64xf32, #tpu.memory_space<vmem>>
      %dma_start3A_322 = arith.constant 0 : i32
      %dma_start3A_323 = tpu.memref_slice %arg8[%select_n3A_87, %dma_start3A_317, %dma_start3A_322] : memref<2x8x128xi32, #tpu.memory_space<vmem>> -> memref<1x1x128xi32, #tpu.memory_space<vmem>>
      %dma_start3A_324 = tpu.memref_squeeze %dma_start3A_323 : memref<1x1x128xi32, #tpu.memory_space<vmem>> -> memref<128xi32, #tpu.memory_space<vmem>>
      %dma_start3A_325 = arith.constant 0 : i32
      %dma_start3A_326 = arith.constant 0 : i32
      %dma_start3A_327 = tpu.memref_slice %arg11[%dma_start3A_325, %dma_start3A_326] : memref<10112x64xf32, #tpu.memory_space<vmem_shared>> -> memref<10112x64xf32, #tpu.memory_space<vmem_shared>>
      tpu.enqueue_indirect_dma source(%dma_start3A_321 : memref<128x64xf32, #tpu.memory_space<vmem>>) target(%dma_start3A_327 : memref<10112x64xf32, #tpu.memory_space<vmem_shared>>) offsets(%dma_start3A_324 : memref<128xi32, #tpu.memory_space<vmem>>) semaphore(%arg16 : memref<!tpu.dma_semaphore, #tpu.memory_space<semaphore_mem>>) {add = true}
      %dma_start3A_328 = arith.constant 6 : i32
      %dma_start3A_329 = arith.constant 2 : i32
      %dma_start3A_330 = arith.constant 0 : i32
      %dma_start3A_331 = arith.constant 0 : i32
      %dma_start3A_332 = tpu.memref_slice %arg9[%dma_start3A_329, %dma_start3A_330, %dma_start3A_331] : memref<4x128x64xf32, #tpu.memory_space<vmem>> -> memref<1x128x64xf32, #tpu.memory_space<vmem>>
      %dma_start3A_333 = tpu.memref_squeeze %dma_start3A_332 : memref<1x128x64xf32, #tpu.memory_space<vmem>> -> memref<128x64xf32, #tpu.memory_space<vmem>>
      %dma_start3A_334 = arith.constant 0 : i32
      %dma_start3A_335 = tpu.memref_slice %arg7[%select_n3A_87, %dma_start3A_328, %dma_start3A_334] : memref<2x8x128xi32, #tpu.memory_space<vmem>> -> memref<1x1x128xi32, #tpu.memory_space<vmem>>
      %dma_start3A_336 = tpu.memref_squeeze %dma_start3A_335 : memref<1x1x128xi32, #tpu.memory_space<vmem>> -> memref<128xi32, #tpu.memory_space<vmem>>
      %dma_start3A_337 = arith.constant 0 : i32
      %dma_start3A_338 = arith.constant 0 : i32
      %dma_start3A_339 = tpu.memref_slice %arg10[%dma_start3A_337, %dma_start3A_338] : memref<10000x64xf32, #tpu.memory_space<vmem_shared>> -> memref<10000x64xf32, #tpu.memory_space<vmem_shared>>
      tpu.enqueue_indirect_dma source(%dma_start3A_339 : memref<10000x64xf32, #tpu.memory_space<vmem_shared>>) target(%dma_start3A_333 : memref<128x64xf32, #tpu.memory_space<vmem>>) offsets(%dma_start3A_336 : memref<128xi32, #tpu.memory_space<vmem>>) semaphore(%arg14 : memref<!tpu.dma_semaphore, #tpu.memory_space<semaphore_mem>>)
      %dma_wait3A_340 = arith.constant 5 : i32
      %dma_wait3A_341 = arith.constant 1 : i32
      %dma_wait3A_342 = arith.constant 0 : i32
      %dma_wait3A_343 = arith.constant 0 : i32
      %dma_wait3A_344 = tpu.memref_slice %arg9[%dma_wait3A_341, %dma_wait3A_342, %dma_wait3A_343] : memref<4x128x64xf32, #tpu.memory_space<vmem>> -> memref<1x128x64xf32, #tpu.memory_space<vmem>>
      %dma_wait3A_345 = tpu.memref_squeeze %dma_wait3A_344 : memref<1x128x64xf32, #tpu.memory_space<vmem>> -> memref<128x64xf32, #tpu.memory_space<vmem>>
      %dma_wait3A_346 = arith.constant 0 : i32
      %dma_wait3A_347 = tpu.memref_slice %arg7[%select_n3A_87, %dma_wait3A_340, %dma_wait3A_346] : memref<2x8x128xi32, #tpu.memory_space<vmem>> -> memref<1x1x128xi32, #tpu.memory_space<vmem>>
      %dma_wait3A_348 = tpu.memref_squeeze %dma_wait3A_347 : memref<1x1x128xi32, #tpu.memory_space<vmem>> -> memref<128xi32, #tpu.memory_space<vmem>>
      %dma_wait3A_349 = arith.constant 0 : i32
      %dma_wait3A_350 = arith.constant 0 : i32
      %dma_wait3A_351 = tpu.memref_slice %arg10[%dma_wait3A_349, %dma_wait3A_350] : memref<10000x64xf32, #tpu.memory_space<vmem_shared>> -> memref<10000x64xf32, #tpu.memory_space<vmem_shared>>
      tpu.wait_indirect_dma semaphore(%arg13 : memref<!tpu.dma_semaphore, #tpu.memory_space<semaphore_mem>>) src(%dma_wait3A_351 : memref<10000x64xf32, #tpu.memory_space<vmem_shared>>) dst(%dma_wait3A_345 : memref<128x64xf32, #tpu.memory_space<vmem>>)
      %dma_wait3A_352 = arith.constant 0 : i32
      %dma_wait3A_353 = arith.constant 0 : i32
      %dma_wait3A_354 = arith.constant 0 : i32
      %dma_wait3A_355 = arith.constant 0 : i32
      %dma_wait3A_356 = arith.constant 0 : i32
      %dma_wait3A_357 = tpu.memref_slice %arg9[%dma_wait3A_352, %dma_wait3A_355, %dma_wait3A_356] : memref<4x128x64xf32, #tpu.memory_space<vmem>> -> memref<1x128x64xf32, #tpu.memory_space<vmem>>
      %dma_wait3A_358 = tpu.memref_squeeze %dma_wait3A_357 : memref<1x128x64xf32, #tpu.memory_space<vmem>> -> memref<128x64xf32, #tpu.memory_space<vmem>>
      %dma_wait3A_359 = arith.constant 0 : i32
      %dma_wait3A_360 = tpu.memref_slice %arg8[%dma_wait3A_353, %dma_wait3A_354, %dma_wait3A_359] : memref<2x8x128xi32, #tpu.memory_space<vmem>> -> memref<1x1x128xi32, #tpu.memory_space<vmem>>
      %dma_wait3A_361 = tpu.memref_squeeze %dma_wait3A_360 : memref<1x1x128xi32, #tpu.memory_space<vmem>> -> memref<128xi32, #tpu.memory_space<vmem>>
      %dma_wait3A_362 = arith.constant 0 : i32
      %dma_wait3A_363 = arith.constant 0 : i32
      %dma_wait3A_364 = tpu.memref_slice %arg11[%dma_wait3A_362, %dma_wait3A_363] : memref<10112x64xf32, #tpu.memory_space<vmem_shared>> -> memref<10112x64xf32, #tpu.memory_space<vmem_shared>>
      tpu.wait_indirect_dma semaphore(%arg16 : memref<!tpu.dma_semaphore, #tpu.memory_space<semaphore_mem>>) src(%dma_wait3A_358 : memref<128x64xf32, #tpu.memory_space<vmem>>) dst(%dma_wait3A_364 : memref<10112x64xf32, #tpu.memory_space<vmem_shared>>)
      %dma_start3A_365 = arith.constant 1 : i32
      %dma_start3A_366 = arith.constant 5 : i32
      %dma_start3A_367 = arith.constant 0 : i32
      %dma_start3A_368 = arith.constant 0 : i32
      %dma_start3A_369 = tpu.memref_slice %arg9[%dma_start3A_365, %dma_start3A_367, %dma_start3A_368] : memref<4x128x64xf32, #tpu.memory_space<vmem>> -> memref<1x128x64xf32, #tpu.memory_space<vmem>>
      %dma_start3A_370 = tpu.memref_squeeze %dma_start3A_369 : memref<1x128x64xf32, #tpu.memory_space<vmem>> -> memref<128x64xf32, #tpu.memory_space<vmem>>
      %dma_start3A_371 = arith.constant 0 : i32
      %dma_start3A_372 = tpu.memref_slice %arg8[%select_n3A_87, %dma_start3A_366, %dma_start3A_371] : memref<2x8x128xi32, #tpu.memory_space<vmem>> -> memref<1x1x128xi32, #tpu.memory_space<vmem>>
      %dma_start3A_373 = tpu.memref_squeeze %dma_start3A_372 : memref<1x1x128xi32, #tpu.memory_space<vmem>> -> memref<128xi32, #tpu.memory_space<vmem>>
      %dma_start3A_374 = arith.constant 0 : i32
      %dma_start3A_375 = arith.constant 0 : i32
      %dma_start3A_376 = tpu.memref_slice %arg11[%dma_start3A_374, %dma_start3A_375] : memref<10112x64xf32, #tpu.memory_space<vmem_shared>> -> memref<10112x64xf32, #tpu.memory_space<vmem_shared>>
      tpu.enqueue_indirect_dma source(%dma_start3A_370 : memref<128x64xf32, #tpu.memory_space<vmem>>) target(%dma_start3A_376 : memref<10112x64xf32, #tpu.memory_space<vmem_shared>>) offsets(%dma_start3A_373 : memref<128xi32, #tpu.memory_space<vmem>>) semaphore(%arg17 : memref<!tpu.dma_semaphore, #tpu.memory_space<semaphore_mem>>) {add = true}
      %dma_start3A_377 = arith.constant 7 : i32
      %dma_start3A_378 = arith.constant 3 : i32
      %dma_start3A_379 = arith.constant 0 : i32
      %dma_start3A_380 = arith.constant 0 : i32
      %dma_start3A_381 = tpu.memref_slice %arg9[%dma_start3A_378, %dma_start3A_379, %dma_start3A_380] : memref<4x128x64xf32, #tpu.memory_space<vmem>> -> memref<1x128x64xf32, #tpu.memory_space<vmem>>
      %dma_start3A_382 = tpu.memref_squeeze %dma_start3A_381 : memref<1x128x64xf32, #tpu.memory_space<vmem>> -> memref<128x64xf32, #tpu.memory_space<vmem>>
      %dma_start3A_383 = arith.constant 0 : i32
      %dma_start3A_384 = tpu.memref_slice %arg7[%select_n3A_87, %dma_start3A_377, %dma_start3A_383] : memref<2x8x128xi32, #tpu.memory_space<vmem>> -> memref<1x1x128xi32, #tpu.memory_space<vmem>>
      %dma_start3A_385 = tpu.memref_squeeze %dma_start3A_384 : memref<1x1x128xi32, #tpu.memory_space<vmem>> -> memref<128xi32, #tpu.memory_space<vmem>>
      %dma_start3A_386 = arith.constant 0 : i32
      %dma_start3A_387 = arith.constant 0 : i32
      %dma_start3A_388 = tpu.memref_slice %arg10[%dma_start3A_386, %dma_start3A_387] : memref<10000x64xf32, #tpu.memory_space<vmem_shared>> -> memref<10000x64xf32, #tpu.memory_space<vmem_shared>>
      tpu.enqueue_indirect_dma source(%dma_start3A_388 : memref<10000x64xf32, #tpu.memory_space<vmem_shared>>) target(%dma_start3A_382 : memref<128x64xf32, #tpu.memory_space<vmem>>) offsets(%dma_start3A_385 : memref<128xi32, #tpu.memory_space<vmem>>) semaphore(%arg15 : memref<!tpu.dma_semaphore, #tpu.memory_space<semaphore_mem>>)
      %dma_wait3A_389 = arith.constant 6 : i32
      %dma_wait3A_390 = arith.constant 2 : i32
      %dma_wait3A_391 = arith.constant 0 : i32
      %dma_wait3A_392 = arith.constant 0 : i32
      %dma_wait3A_393 = tpu.memref_slice %arg9[%dma_wait3A_390, %dma_wait3A_391, %dma_wait3A_392] : memref<4x128x64xf32, #tpu.memory_space<vmem>> -> memref<1x128x64xf32, #tpu.memory_space<vmem>>
      %dma_wait3A_394 = tpu.memref_squeeze %dma_wait3A_393 : memref<1x128x64xf32, #tpu.memory_space<vmem>> -> memref<128x64xf32, #tpu.memory_space<vmem>>
      %dma_wait3A_395 = arith.constant 0 : i32
      %dma_wait3A_396 = tpu.memref_slice %arg7[%select_n3A_87, %dma_wait3A_389, %dma_wait3A_395] : memref<2x8x128xi32, #tpu.memory_space<vmem>> -> memref<1x1x128xi32, #tpu.memory_space<vmem>>
      %dma_wait3A_397 = tpu.memref_squeeze %dma_wait3A_396 : memref<1x1x128xi32, #tpu.memory_space<vmem>> -> memref<128xi32, #tpu.memory_space<vmem>>
      %dma_wait3A_398 = arith.constant 0 : i32
      %dma_wait3A_399 = arith.constant 0 : i32
      %dma_wait3A_400 = tpu.memref_slice %arg10[%dma_wait3A_398, %dma_wait3A_399] : memref<10000x64xf32, #tpu.memory_space<vmem_shared>> -> memref<10000x64xf32, #tpu.memory_space<vmem_shared>>
      tpu.wait_indirect_dma semaphore(%arg14 : memref<!tpu.dma_semaphore, #tpu.memory_space<semaphore_mem>>) src(%dma_wait3A_400 : memref<10000x64xf32, #tpu.memory_space<vmem_shared>>) dst(%dma_wait3A_394 : memref<128x64xf32, #tpu.memory_space<vmem>>)
      %dma_wait3A_401 = arith.constant 1 : i32
      %dma_wait3A_402 = arith.constant 0 : i32
      %dma_wait3A_403 = arith.constant 0 : i32
      %dma_wait3A_404 = arith.constant 0 : i32
      %dma_wait3A_405 = arith.constant 0 : i32
      %dma_wait3A_406 = tpu.memref_slice %arg9[%dma_wait3A_401, %dma_wait3A_404, %dma_wait3A_405] : memref<4x128x64xf32, #tpu.memory_space<vmem>> -> memref<1x128x64xf32, #tpu.memory_space<vmem>>
      %dma_wait3A_407 = tpu.memref_squeeze %dma_wait3A_406 : memref<1x128x64xf32, #tpu.memory_space<vmem>> -> memref<128x64xf32, #tpu.memory_space<vmem>>
      %dma_wait3A_408 = arith.constant 0 : i32
      %dma_wait3A_409 = tpu.memref_slice %arg8[%dma_wait3A_402, %dma_wait3A_403, %dma_wait3A_408] : memref<2x8x128xi32, #tpu.memory_space<vmem>> -> memref<1x1x128xi32, #tpu.memory_space<vmem>>
      %dma_wait3A_410 = tpu.memref_squeeze %dma_wait3A_409 : memref<1x1x128xi32, #tpu.memory_space<vmem>> -> memref<128xi32, #tpu.memory_space<vmem>>
      %dma_wait3A_411 = arith.constant 0 : i32
      %dma_wait3A_412 = arith.constant 0 : i32
      %dma_wait3A_413 = tpu.memref_slice %arg11[%dma_wait3A_411, %dma_wait3A_412] : memref<10112x64xf32, #tpu.memory_space<vmem_shared>> -> memref<10112x64xf32, #tpu.memory_space<vmem_shared>>
      tpu.wait_indirect_dma semaphore(%arg17 : memref<!tpu.dma_semaphore, #tpu.memory_space<semaphore_mem>>) src(%dma_wait3A_407 : memref<128x64xf32, #tpu.memory_space<vmem>>) dst(%dma_wait3A_413 : memref<10112x64xf32, #tpu.memory_space<vmem_shared>>)
      %dma_start3A_414 = arith.constant 2 : i32
      %dma_start3A_415 = arith.constant 6 : i32
      %dma_start3A_416 = arith.constant 0 : i32
      %dma_start3A_417 = arith.constant 0 : i32
      %dma_start3A_418 = tpu.memref_slice %arg9[%dma_start3A_414, %dma_start3A_416, %dma_start3A_417] : memref<4x128x64xf32, #tpu.memory_space<vmem>> -> memref<1x128x64xf32, #tpu.memory_space<vmem>>
      %dma_start3A_419 = tpu.memref_squeeze %dma_start3A_418 : memref<1x128x64xf32, #tpu.memory_space<vmem>> -> memref<128x64xf32, #tpu.memory_space<vmem>>
      %dma_start3A_420 = arith.constant 0 : i32
      %dma_start3A_421 = tpu.memref_slice %arg8[%select_n3A_87, %dma_start3A_415, %dma_start3A_420] : memref<2x8x128xi32, #tpu.memory_space<vmem>> -> memref<1x1x128xi32, #tpu.memory_space<vmem>>
      %dma_start3A_422 = tpu.memref_squeeze %dma_start3A_421 : memref<1x1x128xi32, #tpu.memory_space<vmem>> -> memref<128xi32, #tpu.memory_space<vmem>>
      %dma_start3A_423 = arith.constant 0 : i32
      %dma_start3A_424 = arith.constant 0 : i32
      %dma_start3A_425 = tpu.memref_slice %arg11[%dma_start3A_423, %dma_start3A_424] : memref<10112x64xf32, #tpu.memory_space<vmem_shared>> -> memref<10112x64xf32, #tpu.memory_space<vmem_shared>>
      tpu.enqueue_indirect_dma source(%dma_start3A_419 : memref<128x64xf32, #tpu.memory_space<vmem>>) target(%dma_start3A_425 : memref<10112x64xf32, #tpu.memory_space<vmem_shared>>) offsets(%dma_start3A_422 : memref<128xi32, #tpu.memory_space<vmem>>) semaphore(%arg16 : memref<!tpu.dma_semaphore, #tpu.memory_space<semaphore_mem>>) {add = true}
      %add3A_426 = arith.constant 1 : i32
      %add3A_427 = arith.addi %scan3A_78, %add3A_426 : i32
      %lt3A_428 = arith.constant 20 : i32
      %lt3A_429 = arith.cmpi slt, %add3A_427, %lt3A_428 : i32
      %convert_element_type3A_430 = arith.extui %lt3A_429 : i1 to i32
      %cond3A_431 = arith.constant 0 : i32
      %cond3A_432 = arith.cmpi ne, %convert_element_type3A_430, %cond3A_431 : i32
      scf.if %cond3A_432 {
        %add3A_491 = arith.constant 1 : i32
        %add3A_492 = arith.addi %scan3A_78, %add3A_491 : i32
        %mul3A_493 = arith.constant 8 : i32
        %mul3A_494 = arith.muli %add3A_492, %mul3A_493 : i32
        %add3A_495 = arith.addi %mul3A_0, %mul3A_494 : i32
        %dma_wait3A_496 = arith.constant 0 : i32
        %dma_wait3A_497 = arith.constant 0 : i32
        %dma_wait3A_498 = tpu.memref_slice %arg7[%select_n3A_105, %dma_wait3A_496, %dma_wait3A_497] : memref<2x8x128xi32, #tpu.memory_space<vmem>> -> memref<1x8x128xi32, #tpu.memory_space<vmem>>
        %dma_wait3A_499 = tpu.memref_squeeze %dma_wait3A_498 : memref<1x8x128xi32, #tpu.memory_space<vmem>> -> memref<8x128xi32, #tpu.memory_space<vmem>>
        %dma_wait3A_500 = arith.constant 0 : i32
        %dma_wait3A_501 = tpu.memref_slice %arg3[%add3A_495, %dma_wait3A_500] : memref<2560x128xi32, #tpu.memory_space<hbm>> -> memref<8x128xi32, #tpu.memory_space<hbm>>
        %dma_wait3A_502 = arith.constant 0 : i32
        %dma_wait3A_503 = arith.constant 0 : i32
        %dma_wait3A_504 = tpu.memref_slice %arg7[%select_n3A_105, %dma_wait3A_502, %dma_wait3A_503] : memref<2x8x128xi32, #tpu.memory_space<vmem>> -> memref<1x8x128xi32, #tpu.memory_space<vmem>>
        %dma_wait3A_505 = tpu.memref_squeeze %dma_wait3A_504 : memref<1x8x128xi32, #tpu.memory_space<vmem>> -> memref<8x128xi32, #tpu.memory_space<vmem>>
        %dma_wait3A_506 = arith.constant 0 : i32
        %dma_wait3A_507 = tpu.memref_slice %arg3[%add3A_495, %dma_wait3A_506] : memref<2560x128xi32, #tpu.memory_space<hbm>> -> memref<8x128xi32, #tpu.memory_space<hbm>>
        tpu.wait_dma2 semaphore(%arg18 : memref<!tpu.dma_semaphore, #tpu.memory_space<semaphore_mem>>) src(%dma_wait3A_507 : memref<8x128xi32, #tpu.memory_space<hbm>>) dst(%dma_wait3A_505 : memref<8x128xi32, #tpu.memory_space<vmem>>)
        %mul3A_508 = arith.constant 8 : i32
        %mul3A_509 = arith.muli %add3A_492, %mul3A_508 : i32
        %add3A_510 = arith.addi %mul3A_0, %mul3A_509 : i32
        %dma_wait3A_511 = arith.constant 0 : i32
        %dma_wait3A_512 = arith.constant 0 : i32
        %dma_wait3A_513 = tpu.memref_slice %arg8[%select_n3A_105, %dma_wait3A_511, %dma_wait3A_512] : memref<2x8x128xi32, #tpu.memory_space<vmem>> -> memref<1x8x128xi32, #tpu.memory_space<vmem>>
        %dma_wait3A_514 = tpu.memref_squeeze %dma_wait3A_513 : memref<1x8x128xi32, #tpu.memory_space<vmem>> -> memref<8x128xi32, #tpu.memory_space<vmem>>
        %dma_wait3A_515 = arith.constant 0 : i32
        %dma_wait3A_516 = tpu.memref_slice %arg4[%add3A_510, %dma_wait3A_515] : memref<2560x128xi32, #tpu.memory_space<hbm>> -> memref<8x128xi32, #tpu.memory_space<hbm>>
        %dma_wait3A_517 = arith.constant 0 : i32
        %dma_wait3A_518 = arith.constant 0 : i32
        %dma_wait3A_519 = tpu.memref_slice %arg8[%select_n3A_105, %dma_wait3A_517, %dma_wait3A_518] : memref<2x8x128xi32, #tpu.memory_space<vmem>> -> memref<1x8x128xi32, #tpu.memory_space<vmem>>
        %dma_wait3A_520 = tpu.memref_squeeze %dma_wait3A_519 : memref<1x8x128xi32, #tpu.memory_space<vmem>> -> memref<8x128xi32, #tpu.memory_space<vmem>>
        %dma_wait3A_521 = arith.constant 0 : i32
        %dma_wait3A_522 = tpu.memref_slice %arg4[%add3A_510, %dma_wait3A_521] : memref<2560x128xi32, #tpu.memory_space<hbm>> -> memref<8x128xi32, #tpu.memory_space<hbm>>
        tpu.wait_dma2 semaphore(%arg19 : memref<!tpu.dma_semaphore, #tpu.memory_space<semaphore_mem>>) src(%dma_wait3A_522 : memref<8x128xi32, #tpu.memory_space<hbm>>) dst(%dma_wait3A_520 : memref<8x128xi32, #tpu.memory_space<vmem>>)
      } else {
      }
      %add3A_433 = arith.constant 1 : i32
      %add3A_434 = arith.addi %scan3A_78, %add3A_433 : i32
      %lt3A_435 = arith.constant 20 : i32
      %lt3A_436 = arith.cmpi slt, %add3A_434, %lt3A_435 : i32
      %convert_element_type3A_437 = arith.extui %lt3A_436 : i1 to i32
      %cond3A_438 = arith.constant 0 : i32
      %cond3A_439 = arith.cmpi ne, %convert_element_type3A_437, %cond3A_438 : i32
      scf.if %cond3A_439 {
        %dma_start3A_491 = arith.constant 0 : i32
        %dma_start3A_492 = arith.constant 0 : i32
        %dma_start3A_493 = arith.constant 0 : i32
        %dma_start3A_494 = arith.constant 0 : i32
        %dma_start3A_495 = tpu.memref_slice %arg9[%dma_start3A_492, %dma_start3A_493, %dma_start3A_494] : memref<4x128x64xf32, #tpu.memory_space<vmem>> -> memref<1x128x64xf32, #tpu.memory_space<vmem>>
        %dma_start3A_496 = tpu.memref_squeeze %dma_start3A_495 : memref<1x128x64xf32, #tpu.memory_space<vmem>> -> memref<128x64xf32, #tpu.memory_space<vmem>>
        %dma_start3A_497 = arith.constant 0 : i32
        %dma_start3A_498 = tpu.memref_slice %arg7[%select_n3A_105, %dma_start3A_491, %dma_start3A_497] : memref<2x8x128xi32, #tpu.memory_space<vmem>> -> memref<1x1x128xi32, #tpu.memory_space<vmem>>
        %dma_start3A_499 = tpu.memref_squeeze %dma_start3A_498 : memref<1x1x128xi32, #tpu.memory_space<vmem>> -> memref<128xi32, #tpu.memory_space<vmem>>
        %dma_start3A_500 = arith.constant 0 : i32
        %dma_start3A_501 = arith.constant 0 : i32
        %dma_start3A_502 = tpu.memref_slice %arg10[%dma_start3A_500, %dma_start3A_501] : memref<10000x64xf32, #tpu.memory_space<vmem_shared>> -> memref<10000x64xf32, #tpu.memory_space<vmem_shared>>
        tpu.enqueue_indirect_dma source(%dma_start3A_502 : memref<10000x64xf32, #tpu.memory_space<vmem_shared>>) target(%dma_start3A_496 : memref<128x64xf32, #tpu.memory_space<vmem>>) offsets(%dma_start3A_499 : memref<128xi32, #tpu.memory_space<vmem>>) semaphore(%arg12 : memref<!tpu.dma_semaphore, #tpu.memory_space<semaphore_mem>>)
      } else {
      }
      %dma_wait3A_440 = arith.constant 7 : i32
      %dma_wait3A_441 = arith.constant 3 : i32
      %dma_wait3A_442 = arith.constant 0 : i32
      %dma_wait3A_443 = arith.constant 0 : i32
      %dma_wait3A_444 = tpu.memref_slice %arg9[%dma_wait3A_441, %dma_wait3A_442, %dma_wait3A_443] : memref<4x128x64xf32, #tpu.memory_space<vmem>> -> memref<1x128x64xf32, #tpu.memory_space<vmem>>
      %dma_wait3A_445 = tpu.memref_squeeze %dma_wait3A_444 : memref<1x128x64xf32, #tpu.memory_space<vmem>> -> memref<128x64xf32, #tpu.memory_space<vmem>>
      %dma_wait3A_446 = arith.constant 0 : i32
      %dma_wait3A_447 = tpu.memref_slice %arg7[%select_n3A_87, %dma_wait3A_440, %dma_wait3A_446] : memref<2x8x128xi32, #tpu.memory_space<vmem>> -> memref<1x1x128xi32, #tpu.memory_space<vmem>>
      %dma_wait3A_448 = tpu.memref_squeeze %dma_wait3A_447 : memref<1x1x128xi32, #tpu.memory_space<vmem>> -> memref<128xi32, #tpu.memory_space<vmem>>
      %dma_wait3A_449 = arith.constant 0 : i32
      %dma_wait3A_450 = arith.constant 0 : i32
      %dma_wait3A_451 = tpu.memref_slice %arg10[%dma_wait3A_449, %dma_wait3A_450] : memref<10000x64xf32, #tpu.memory_space<vmem_shared>> -> memref<10000x64xf32, #tpu.memory_space<vmem_shared>>
      tpu.wait_indirect_dma semaphore(%arg15 : memref<!tpu.dma_semaphore, #tpu.memory_space<semaphore_mem>>) src(%dma_wait3A_451 : memref<10000x64xf32, #tpu.memory_space<vmem_shared>>) dst(%dma_wait3A_445 : memref<128x64xf32, #tpu.memory_space<vmem>>)
      %dma_wait3A_452 = arith.constant 0 : i32
      %dma_wait3A_453 = arith.constant 0 : i32
      %dma_wait3A_454 = arith.constant 0 : i32
      %dma_wait3A_455 = arith.constant 0 : i32
      %dma_wait3A_456 = arith.constant 0 : i32
      %dma_wait3A_457 = tpu.memref_slice %arg9[%dma_wait3A_452, %dma_wait3A_455, %dma_wait3A_456] : memref<4x128x64xf32, #tpu.memory_space<vmem>> -> memref<1x128x64xf32, #tpu.memory_space<vmem>>
      %dma_wait3A_458 = tpu.memref_squeeze %dma_wait3A_457 : memref<1x128x64xf32, #tpu.memory_space<vmem>> -> memref<128x64xf32, #tpu.memory_space<vmem>>
      %dma_wait3A_459 = arith.constant 0 : i32
      %dma_wait3A_460 = tpu.memref_slice %arg8[%dma_wait3A_453, %dma_wait3A_454, %dma_wait3A_459] : memref<2x8x128xi32, #tpu.memory_space<vmem>> -> memref<1x1x128xi32, #tpu.memory_space<vmem>>
      %dma_wait3A_461 = tpu.memref_squeeze %dma_wait3A_460 : memref<1x1x128xi32, #tpu.memory_space<vmem>> -> memref<128xi32, #tpu.memory_space<vmem>>
      %dma_wait3A_462 = arith.constant 0 : i32
      %dma_wait3A_463 = arith.constant 0 : i32
      %dma_wait3A_464 = tpu.memref_slice %arg11[%dma_wait3A_462, %dma_wait3A_463] : memref<10112x64xf32, #tpu.memory_space<vmem_shared>> -> memref<10112x64xf32, #tpu.memory_space<vmem_shared>>
      tpu.wait_indirect_dma semaphore(%arg16 : memref<!tpu.dma_semaphore, #tpu.memory_space<semaphore_mem>>) src(%dma_wait3A_458 : memref<128x64xf32, #tpu.memory_space<vmem>>) dst(%dma_wait3A_464 : memref<10112x64xf32, #tpu.memory_space<vmem_shared>>)
      %dma_start3A_465 = arith.constant 3 : i32
      %dma_start3A_466 = arith.constant 7 : i32
      %dma_start3A_467 = arith.constant 0 : i32
      %dma_start3A_468 = arith.constant 0 : i32
      %dma_start3A_469 = tpu.memref_slice %arg9[%dma_start3A_465, %dma_start3A_467, %dma_start3A_468] : memref<4x128x64xf32, #tpu.memory_space<vmem>> -> memref<1x128x64xf32, #tpu.memory_space<vmem>>
      %dma_start3A_470 = tpu.memref_squeeze %dma_start3A_469 : memref<1x128x64xf32, #tpu.memory_space<vmem>> -> memref<128x64xf32, #tpu.memory_space<vmem>>
      %dma_start3A_471 = arith.constant 0 : i32
      %dma_start3A_472 = tpu.memref_slice %arg8[%select_n3A_87, %dma_start3A_466, %dma_start3A_471] : memref<2x8x128xi32, #tpu.memory_space<vmem>> -> memref<1x1x128xi32, #tpu.memory_space<vmem>>
      %dma_start3A_473 = tpu.memref_squeeze %dma_start3A_472 : memref<1x1x128xi32, #tpu.memory_space<vmem>> -> memref<128xi32, #tpu.memory_space<vmem>>
      %dma_start3A_474 = arith.constant 0 : i32
      %dma_start3A_475 = arith.constant 0 : i32
      %dma_start3A_476 = tpu.memref_slice %arg11[%dma_start3A_474, %dma_start3A_475] : memref<10112x64xf32, #tpu.memory_space<vmem_shared>> -> memref<10112x64xf32, #tpu.memory_space<vmem_shared>>
      tpu.enqueue_indirect_dma source(%dma_start3A_470 : memref<128x64xf32, #tpu.memory_space<vmem>>) target(%dma_start3A_476 : memref<10112x64xf32, #tpu.memory_space<vmem_shared>>) offsets(%dma_start3A_473 : memref<128xi32, #tpu.memory_space<vmem>>) semaphore(%arg17 : memref<!tpu.dma_semaphore, #tpu.memory_space<semaphore_mem>>) {add = true}
      %add3A_477 = arith.constant 1 : i32
      %add3A_478 = arith.addi %scan3A_78, %add3A_477 : i32
      %lt3A_479 = arith.constant 20 : i32
      %lt3A_480 = arith.cmpi slt, %add3A_478, %lt3A_479 : i32
      %convert_element_type3A_481 = arith.extui %lt3A_480 : i1 to i32
      %cond3A_482 = arith.constant 0 : i32
      %cond3A_483 = arith.cmpi ne, %convert_element_type3A_481, %cond3A_482 : i32
      scf.if %cond3A_483 {
        %dma_start3A_491 = arith.constant 1 : i32
        %dma_start3A_492 = arith.constant 1 : i32
        %dma_start3A_493 = arith.constant 0 : i32
        %dma_start3A_494 = arith.constant 0 : i32
        %dma_start3A_495 = tpu.memref_slice %arg9[%dma_start3A_492, %dma_start3A_493, %dma_start3A_494] : memref<4x128x64xf32, #tpu.memory_space<vmem>> -> memref<1x128x64xf32, #tpu.memory_space<vmem>>
        %dma_start3A_496 = tpu.memref_squeeze %dma_start3A_495 : memref<1x128x64xf32, #tpu.memory_space<vmem>> -> memref<128x64xf32, #tpu.memory_space<vmem>>
        %dma_start3A_497 = arith.constant 0 : i32
        %dma_start3A_498 = tpu.memref_slice %arg7[%select_n3A_105, %dma_start3A_491, %dma_start3A_497] : memref<2x8x128xi32, #tpu.memory_space<vmem>> -> memref<1x1x128xi32, #tpu.memory_space<vmem>>
        %dma_start3A_499 = tpu.memref_squeeze %dma_start3A_498 : memref<1x1x128xi32, #tpu.memory_space<vmem>> -> memref<128xi32, #tpu.memory_space<vmem>>
        %dma_start3A_500 = arith.constant 0 : i32
        %dma_start3A_501 = arith.constant 0 : i32
        %dma_start3A_502 = tpu.memref_slice %arg10[%dma_start3A_500, %dma_start3A_501] : memref<10000x64xf32, #tpu.memory_space<vmem_shared>> -> memref<10000x64xf32, #tpu.memory_space<vmem_shared>>
        tpu.enqueue_indirect_dma source(%dma_start3A_502 : memref<10000x64xf32, #tpu.memory_space<vmem_shared>>) target(%dma_start3A_496 : memref<128x64xf32, #tpu.memory_space<vmem>>) offsets(%dma_start3A_499 : memref<128xi32, #tpu.memory_space<vmem>>) semaphore(%arg13 : memref<!tpu.dma_semaphore, #tpu.memory_space<semaphore_mem>>)
      } else {
      }
      %add3A_484 = arith.constant 2 : i32
      %add3A_485 = arith.addi %scan3A_78, %add3A_484 : i32
      %lt3A_486 = arith.constant 20 : i32
      %lt3A_487 = arith.cmpi slt, %add3A_485, %lt3A_486 : i32
      %convert_element_type3A_488 = arith.extui %lt3A_487 : i1 to i32
      %cond3A_489 = arith.constant 0 : i32
      %cond3A_490 = arith.cmpi ne, %convert_element_type3A_488, %cond3A_489 : i32
      scf.if %cond3A_490 {
        %add3A_491 = arith.constant 2 : i32
        %add3A_492 = arith.addi %scan3A_78, %add3A_491 : i32
        %mul3A_493 = arith.constant 8 : i32
        %mul3A_494 = arith.muli %add3A_492, %mul3A_493 : i32
        %add3A_495 = arith.addi %mul3A_0, %mul3A_494 : i32
        %dma_start3A_496 = arith.constant 0 : i32
        %dma_start3A_497 = arith.constant 0 : i32
        %dma_start3A_498 = tpu.memref_slice %arg7[%select_n3A_87, %dma_start3A_496, %dma_start3A_497] : memref<2x8x128xi32, #tpu.memory_space<vmem>> -> memref<1x8x128xi32, #tpu.memory_space<vmem>>
        %dma_start3A_499 = tpu.memref_squeeze %dma_start3A_498 : memref<1x8x128xi32, #tpu.memory_space<vmem>> -> memref<8x128xi32, #tpu.memory_space<vmem>>
        %dma_start3A_500 = arith.constant 0 : i32
        %dma_start3A_501 = tpu.memref_slice %arg3[%add3A_495, %dma_start3A_500] : memref<2560x128xi32, #tpu.memory_space<hbm>> -> memref<8x128xi32, #tpu.memory_space<hbm>>
        %dma_start3A_502 = arith.constant 0 : i32
        %dma_start3A_503 = arith.constant 0 : i32
        %dma_start3A_504 = tpu.memref_slice %arg7[%select_n3A_87, %dma_start3A_502, %dma_start3A_503] : memref<2x8x128xi32, #tpu.memory_space<vmem>> -> memref<1x8x128xi32, #tpu.memory_space<vmem>>
        %dma_start3A_505 = tpu.memref_squeeze %dma_start3A_504 : memref<1x8x128xi32, #tpu.memory_space<vmem>> -> memref<8x128xi32, #tpu.memory_space<vmem>>
        %dma_start3A_506 = arith.constant 0 : i32
        %dma_start3A_507 = tpu.memref_slice %arg3[%add3A_495, %dma_start3A_506] : memref<2560x128xi32, #tpu.memory_space<hbm>> -> memref<8x128xi32, #tpu.memory_space<hbm>>
        tpu.enqueue_dma source(%dma_start3A_507 : memref<8x128xi32, #tpu.memory_space<hbm>>) target(%dma_start3A_505 : memref<8x128xi32, #tpu.memory_space<vmem>>) target_semaphore(%arg18 : memref<!tpu.dma_semaphore, #tpu.memory_space<semaphore_mem>>)
        %add3A_508 = arith.constant 2 : i32
        %add3A_509 = arith.addi %scan3A_78, %add3A_508 : i32
        %mul3A_510 = arith.constant 8 : i32
        %mul3A_511 = arith.muli %add3A_509, %mul3A_510 : i32
        %add3A_512 = arith.addi %mul3A_0, %mul3A_511 : i32
        %dma_start3A_513 = arith.constant 0 : i32
        %dma_start3A_514 = arith.constant 0 : i32
        %dma_start3A_515 = tpu.memref_slice %arg8[%select_n3A_87, %dma_start3A_513, %dma_start3A_514] : memref<2x8x128xi32, #tpu.memory_space<vmem>> -> memref<1x8x128xi32, #tpu.memory_space<vmem>>
        %dma_start3A_516 = tpu.memref_squeeze %dma_start3A_515 : memref<1x8x128xi32, #tpu.memory_space<vmem>> -> memref<8x128xi32, #tpu.memory_space<vmem>>
        %dma_start3A_517 = arith.constant 0 : i32
        %dma_start3A_518 = tpu.memref_slice %arg4[%add3A_512, %dma_start3A_517] : memref<2560x128xi32, #tpu.memory_space<hbm>> -> memref<8x128xi32, #tpu.memory_space<hbm>>
        %dma_start3A_519 = arith.constant 0 : i32
        %dma_start3A_520 = arith.constant 0 : i32
        %dma_start3A_521 = tpu.memref_slice %arg8[%select_n3A_87, %dma_start3A_519, %dma_start3A_520] : memref<2x8x128xi32, #tpu.memory_space<vmem>> -> memref<1x8x128xi32, #tpu.memory_space<vmem>>
        %dma_start3A_522 = tpu.memref_squeeze %dma_start3A_521 : memref<1x8x128xi32, #tpu.memory_space<vmem>> -> memref<8x128xi32, #tpu.memory_space<vmem>>
        %dma_start3A_523 = arith.constant 0 : i32
        %dma_start3A_524 = tpu.memref_slice %arg4[%add3A_512, %dma_start3A_523] : memref<2560x128xi32, #tpu.memory_space<hbm>> -> memref<8x128xi32, #tpu.memory_space<hbm>>
        tpu.enqueue_dma source(%dma_start3A_524 : memref<8x128xi32, #tpu.memory_space<hbm>>) target(%dma_start3A_522 : memref<8x128xi32, #tpu.memory_space<vmem>>) target_semaphore(%arg19 : memref<!tpu.dma_semaphore, #tpu.memory_space<semaphore_mem>>)
      } else {
      }
    }
    %scan3A_64 = arith.constant 20 : i32
    %dma_wait3A = arith.constant 1 : i32
    %dma_wait3A_65 = arith.constant 0 : i32
    %dma_wait3A_66 = arith.constant 0 : i32
    %dma_wait3A_67 = arith.constant 0 : i32
    %dma_wait3A_68 = arith.constant 0 : i32
    %dma_wait3A_69 = tpu.memref_slice %arg9[%dma_wait3A, %dma_wait3A_67, %dma_wait3A_68] : memref<4x128x64xf32, #tpu.memory_space<vmem>> -> memref<1x128x64xf32, #tpu.memory_space<vmem>>
    %dma_wait3A_70 = tpu.memref_squeeze %dma_wait3A_69 : memref<1x128x64xf32, #tpu.memory_space<vmem>> -> memref<128x64xf32, #tpu.memory_space<vmem>>
    %dma_wait3A_71 = arith.constant 0 : i32
    %dma_wait3A_72 = tpu.memref_slice %arg8[%dma_wait3A_65, %dma_wait3A_66, %dma_wait3A_71] : memref<2x8x128xi32, #tpu.memory_space<vmem>> -> memref<1x1x128xi32, #tpu.memory_space<vmem>>
    %dma_wait3A_73 = tpu.memref_squeeze %dma_wait3A_72 : memref<1x1x128xi32, #tpu.memory_space<vmem>> -> memref<128xi32, #tpu.memory_space<vmem>>
    %dma_wait3A_74 = arith.constant 0 : i32
    %dma_wait3A_75 = arith.constant 0 : i32
    %dma_wait3A_76 = tpu.memref_slice %arg11[%dma_wait3A_74, %dma_wait3A_75] : memref<10112x64xf32, #tpu.memory_space<vmem_shared>> -> memref<10112x64xf32, #tpu.memory_space<vmem_shared>>
    tpu.wait_indirect_dma semaphore(%arg17 : memref<!tpu.dma_semaphore, #tpu.memory_space<semaphore_mem>>) src(%dma_wait3A_70 : memref<128x64xf32, #tpu.memory_space<vmem>>) dst(%dma_wait3A_76 : memref<10112x64xf32, #tpu.memory_space<vmem_shared>>)
    %barrier3A_77 = arith.constant 0 : index
    tpu.barrier barrier_id(%barrier3A_77)
    "tpu.trace_stop"() : () -> ()
    "tpu.trace_start"() <{level = 10 : i32, message = "gin_wb"}> : () -> ()
    "tpu.region"() ({
      %run_scoped3A_78 = tpu.sem_alloc : memref<!tpu.dma_semaphore, #tpu.memory_space<semaphore_mem>>
      %dma_start3A_79 = arith.constant 0 : i32
      %dma_start3A_80 = tpu.memref_slice %arg6[%arg0, %mul3A_2, %dma_start3A_79] : memref<2x10112x64xf32, #tpu.memory_space<hbm>> -> memref<1x632x64xf32, #tpu.memory_space<hbm>>
      %dma_start3A_81 = tpu.memref_squeeze %dma_start3A_80 : memref<1x632x64xf32, #tpu.memory_space<hbm>> -> memref<632x64xf32, #tpu.memory_space<hbm>>
      %dma_start3A_82 = arith.constant 0 : i32
      %dma_start3A_83 = tpu.memref_slice %arg11[%mul3A_2, %dma_start3A_82] : memref<10112x64xf32, #tpu.memory_space<vmem_shared>> -> memref<632x64xf32, #tpu.memory_space<vmem_shared>>
      tpu.enqueue_dma source(%dma_start3A_83 : memref<632x64xf32, #tpu.memory_space<vmem_shared>>) target(%dma_start3A_81 : memref<632x64xf32, #tpu.memory_space<hbm>>) target_semaphore(%run_scoped3A_78 : memref<!tpu.dma_semaphore, #tpu.memory_space<semaphore_mem>>)
      %dma_wait3A_84 = arith.constant 0 : i32
      %dma_wait3A_85 = tpu.memref_slice %arg6[%arg0, %mul3A_2, %dma_wait3A_84] : memref<2x10112x64xf32, #tpu.memory_space<hbm>> -> memref<1x632x64xf32, #tpu.memory_space<hbm>>
      %dma_wait3A_86 = tpu.memref_squeeze %dma_wait3A_85 : memref<1x632x64xf32, #tpu.memory_space<hbm>> -> memref<632x64xf32, #tpu.memory_space<hbm>>
      %dma_wait3A_87 = arith.constant 0 : i32
      %dma_wait3A_88 = tpu.memref_slice %arg11[%mul3A_2, %dma_wait3A_87] : memref<10112x64xf32, #tpu.memory_space<vmem_shared>> -> memref<632x64xf32, #tpu.memory_space<vmem_shared>>
      tpu.wait_dma2 semaphore(%run_scoped3A_78 : memref<!tpu.dma_semaphore, #tpu.memory_space<semaphore_mem>>) src(%dma_wait3A_88 : memref<632x64xf32, #tpu.memory_space<vmem_shared>>) dst(%dma_wait3A_86 : memref<632x64xf32, #tpu.memory_space<hbm>>)
      tpu.yield
    }) : () -> ()
    "tpu.trace_stop"() : () -> ()
    return
  }
}

module attributes {stable_mosaic.version = 14 : i64} {
  func.func @_relu_body(%arg0: memref<10000x128xf32, #tpu.memory_space<vmem>>, %arg1: memref<2x10000x64xf32, #tpu.memory_space<vmem>>) attributes {dimension_semantics = [], scalar_prefetch = 0 : i64, scratch_operands = 0 : i64, tpu.core_type = #tpu.core_type<tc>} {
    %get3A = arith.constant 0 : index
    %get3A_0 = arith.constant 0 : index
    %get3A_1 = vector.load %arg0[%get3A, %get3A_0] : memref<10000x128xf32, #tpu.memory_space<vmem>>, vector<10000x64xf32>
    %max3A = arith.constant 0.000000e+00 : f32
    %max3A_2 = vector.broadcast %max3A : f32 to vector<10000x64xf32>
    %max3A_3 = arith.maximumf %get3A_1, %max3A_2 : vector<10000x64xf32>
    %swap3A = arith.constant 0 : index
    %swap3A_4 = arith.constant 0 : index
    %swap3A_5 = arith.constant 0 : index
    %swap3A_6 = vector.load %arg1[%swap3A, %swap3A_4, %swap3A_5] : memref<2x10000x64xf32, #tpu.memory_space<vmem>>, vector<1x10000x64xf32>
    %swap3A_7 = vector.shape_cast %swap3A_6 : vector<1x10000x64xf32> to vector<10000x64xf32>
    %swap3A_8 = vector.shape_cast %max3A_3 : vector<10000x64xf32> to vector<1x10000x64xf32>
    tpu.vector_store %arg1[%swap3A, %swap3A_4, %swap3A_5], %swap3A_8 {strides = array<i32>} : memref<2x10000x64xf32, #tpu.memory_space<vmem>>, vector<1x10000x64xf32>,
    %get3A_9 = arith.constant 0 : index
    %get3A_10 = arith.constant 64 : index
    %get3A_11 = vector.load %arg0[%get3A_9, %get3A_10] : memref<10000x128xf32, #tpu.memory_space<vmem>>, vector<10000x64xf32>
    %max3A_12 = arith.constant 0.000000e+00 : f32
    %max3A_13 = vector.broadcast %max3A_12 : f32 to vector<10000x64xf32>
    %max3A_14 = arith.maximumf %get3A_11, %max3A_13 : vector<10000x64xf32>
    %swap3A_15 = arith.constant 1 : index
    %swap3A_16 = arith.constant 0 : index
    %swap3A_17 = arith.constant 0 : index
    %swap3A_18 = vector.load %arg1[%swap3A_15, %swap3A_16, %swap3A_17] : memref<2x10000x64xf32, #tpu.memory_space<vmem>>, vector<1x10000x64xf32>
    %swap3A_19 = vector.shape_cast %swap3A_18 : vector<1x10000x64xf32> to vector<10000x64xf32>
    %swap3A_20 = vector.shape_cast %max3A_14 : vector<10000x64xf32> to vector<1x10000x64xf32>
    tpu.vector_store %arg1[%swap3A_15, %swap3A_16, %swap3A_17], %swap3A_20 {strides = array<i32>} : memref<2x10000x64xf32, #tpu.memory_space<vmem>>, vector<1x10000x64xf32>,
    return
  }
}

module attributes {stable_mosaic.version = 14 : i64} {
  func.func @_mlp_body(%arg0: memref<10000x128xf32, #tpu.memory_space<vmem>>, %arg1: memref<2x10112x64xf32, #tpu.memory_space<vmem>>, %arg2: memref<128x128xf32, #tpu.memory_space<vmem>>, %arg3: memref<1x128xf32, #tpu.memory_space<vmem>>, %arg4: memref<1x128xf32, #tpu.memory_space<vmem>>, %arg5: memref<1x128xf32, #tpu.memory_space<vmem>>, %arg6: memref<128x128xf32, #tpu.memory_space<vmem>>, %arg7: memref<1x128xf32, #tpu.memory_space<vmem>>, %arg8: memref<1x1xf32, #tpu.memory_space<vmem>>, %arg9: memref<10000x128xf32, #tpu.memory_space<vmem>>) attributes {dimension_semantics = [], scalar_prefetch = 0 : i64, scratch_operands = 0 : i64, tpu.core_type = #tpu.core_type<tc>} {
    %get3A = arith.constant 0 : index
    %get3A_0 = arith.constant 0 : index
    %get3A_1 = arith.constant 0 : index
    %get3A_2 = vector.load %arg1[%get3A, %get3A_0, %get3A_1] : memref<2x10112x64xf32, #tpu.memory_space<vmem>>, vector<1x10000x64xf32>
    %get3A_3 = vector.shape_cast %get3A_2 : vector<1x10000x64xf32> to vector<10000x64xf32>
    %get3A_4 = arith.constant 1 : index
    %get3A_5 = arith.constant 0 : index
    %get3A_6 = arith.constant 0 : index
    %get3A_7 = vector.load %arg1[%get3A_4, %get3A_5, %get3A_6] : memref<2x10112x64xf32, #tpu.memory_space<vmem>>, vector<1x10000x64xf32>
    %get3A_8 = vector.shape_cast %get3A_7 : vector<1x10000x64xf32> to vector<10000x64xf32>
    %concatenate3A = tpu.concatenate %get3A_3, %get3A_8 in 1 : vector<10000x64xf32>, vector<10000x64xf32> -> vector<10000x128xf32>
    %get3A_9 = arith.constant 0 : index
    %get3A_10 = arith.constant 0 : index
    %get3A_11 = vector.load %arg8[%get3A_9, %get3A_10] : memref<1x1xf32, #tpu.memory_space<vmem>>, vector<1x1xf32>
    %add3A = arith.constant 1.000000e+00 : f32
    %add3A_12 = vector.broadcast %add3A : f32 to vector<1x1xf32>
    %add3A_13 = arith.addf %add3A_12, %get3A_11 : vector<1x1xf32>
    %get3A_14 = arith.constant 0 : index
    %get3A_15 = arith.constant 0 : index
    %get3A_16 = vector.load %arg0[%get3A_14, %get3A_15] : memref<10000x128xf32, #tpu.memory_space<vmem>>, vector<10000x128xf32>
    %mul3A = vector.broadcast %add3A_13 : vector<1x1xf32> to vector<10000x128xf32>
    %mul3A_17 = arith.mulf %mul3A, %get3A_16 : vector<10000x128xf32>
    %add3A_18 = arith.addf %mul3A_17, %concatenate3A : vector<10000x128xf32>
    %get3A_19 = arith.constant 0 : index
    %get3A_20 = arith.constant 0 : index
    %get3A_21 = vector.load %arg2[%get3A_19, %get3A_20] : memref<128x128xf32, #tpu.memory_space<vmem>>, vector<128x128xf32>
    %dot_general3A = arith.constant dense<0.000000e+00> : vector<10000x128xf32>
    %dot_general3A_22 = tpu.matmul %add3A_18, %get3A_21, %dot_general3A {dimension_numbers = #tpu.dot_dimension_numbers<[1], [0], [0], [1], [0, 0, 1, 1], [], []>, transpose_lhs_hint = false} : vector<10000x128xf32>, vector<128x128xf32>, vector<10000x128xf32> -> vector<10000x128xf32>
    %get3A_23 = arith.constant 0 : index
    %get3A_24 = arith.constant 0 : index
    %get3A_25 = vector.load %arg3[%get3A_23, %get3A_24] : memref<1x128xf32, #tpu.memory_space<vmem>>, vector<1x128xf32>
    %add3A_26 = vector.broadcast %get3A_25 : vector<1x128xf32> to vector<10000x128xf32>
    %add3A_27 = arith.addf %dot_general3A_22, %add3A_26 : vector<10000x128xf32>
    %reduce_sum3A = arith.constant dense<0.000000e+00> : vector<128xf32>
    %reduce_sum3A_28 = vector.multi_reduction <add>, %add3A_27, %reduce_sum3A [0] : vector<10000x128xf32> to vector<128xf32>
    %broadcast_in_dim3A = vector.shape_cast %reduce_sum3A_28 : vector<128xf32> to vector<1x128xf32>
    %div3A = arith.constant 1.000000e+04 : f32
    %div3A_29 = vector.broadcast %div3A : f32 to vector<1x128xf32>
    %div3A_30 = arith.divf %broadcast_in_dim3A, %div3A_29 : vector<1x128xf32>
    %sub3A = vector.broadcast %div3A_30 : vector<1x128xf32> to vector<10000x128xf32>
    %sub3A_31 = arith.subf %add3A_27, %sub3A : vector<10000x128xf32>
    %mul3A_32 = arith.mulf %sub3A_31, %sub3A_31 : vector<10000x128xf32>
    %reduce_sum3A_33 = arith.constant dense<0.000000e+00> : vector<128xf32>
    %reduce_sum3A_34 = vector.multi_reduction <add>, %mul3A_32, %reduce_sum3A_33 [0] : vector<10000x128xf32> to vector<128xf32>
    %broadcast_in_dim3A_35 = vector.shape_cast %reduce_sum3A_34 : vector<128xf32> to vector<1x128xf32>
    %div3A_36 = arith.constant 1.000000e+04 : f32
    %div3A_37 = vector.broadcast %div3A_36 : f32 to vector<1x128xf32>
    %div3A_38 = arith.divf %broadcast_in_dim3A_35, %div3A_37 : vector<1x128xf32>
    %add3A_39 = arith.constant 9.99999974E-6 : f32
    %add3A_40 = vector.broadcast %add3A_39 : f32 to vector<1x128xf32>
    %add3A_41 = arith.addf %div3A_38, %add3A_40 : vector<1x128xf32>
    %rsqrt3A = math.rsqrt %add3A_41 : vector<1x128xf32>
    %mul3A_42 = vector.broadcast %rsqrt3A : vector<1x128xf32> to vector<10000x128xf32>
    %mul3A_43 = arith.mulf %sub3A_31, %mul3A_42 : vector<10000x128xf32>
    %get3A_44 = arith.constant 0 : index
    %get3A_45 = arith.constant 0 : index
    %get3A_46 = vector.load %arg4[%get3A_44, %get3A_45] : memref<1x128xf32, #tpu.memory_space<vmem>>, vector<1x128xf32>
    %mul3A_47 = vector.broadcast %get3A_46 : vector<1x128xf32> to vector<10000x128xf32>
    %mul3A_48 = arith.mulf %mul3A_43, %mul3A_47 : vector<10000x128xf32>
    %get3A_49 = arith.constant 0 : index
    %get3A_50 = arith.constant 0 : index
    %get3A_51 = vector.load %arg5[%get3A_49, %get3A_50] : memref<1x128xf32, #tpu.memory_space<vmem>>, vector<1x128xf32>
    %add3A_52 = vector.broadcast %get3A_51 : vector<1x128xf32> to vector<10000x128xf32>
    %add3A_53 = arith.addf %mul3A_48, %add3A_52 : vector<10000x128xf32>
    %max3A = arith.constant 0.000000e+00 : f32
    %max3A_54 = vector.broadcast %max3A : f32 to vector<10000x128xf32>
    %max3A_55 = arith.maximumf %add3A_53, %max3A_54 : vector<10000x128xf32>
    %get3A_56 = arith.constant 0 : index
    %get3A_57 = arith.constant 0 : index
    %get3A_58 = vector.load %arg6[%get3A_56, %get3A_57] : memref<128x128xf32, #tpu.memory_space<vmem>>, vector<128x128xf32>
    %dot_general3A_59 = arith.constant dense<0.000000e+00> : vector<10000x128xf32>
    %dot_general3A_60 = tpu.matmul %max3A_55, %get3A_58, %dot_general3A_59 {dimension_numbers = #tpu.dot_dimension_numbers<[1], [0], [0], [1], [0, 0, 1, 1], [], []>, transpose_lhs_hint = false} : vector<10000x128xf32>, vector<128x128xf32>, vector<10000x128xf32> -> vector<10000x128xf32>
    %get3A_61 = arith.constant 0 : index
    %get3A_62 = arith.constant 0 : index
    %get3A_63 = vector.load %arg7[%get3A_61, %get3A_62] : memref<1x128xf32, #tpu.memory_space<vmem>>, vector<1x128xf32>
    %add3A_64 = vector.broadcast %get3A_63 : vector<1x128xf32> to vector<10000x128xf32>
    %add3A_65 = arith.addf %dot_general3A_60, %add3A_64 : vector<10000x128xf32>
    %swap3A = arith.constant 0 : index
    %swap3A_66 = arith.constant 0 : index
    %swap3A_67 = vector.load %arg9[%swap3A, %swap3A_66] : memref<10000x128xf32, #tpu.memory_space<vmem>>, vector<10000x128xf32>
    tpu.vector_store %arg9[%swap3A, %swap3A_66], %add3A_65 {strides = array<i32>} : memref<10000x128xf32, #tpu.memory_space<vmem>>, vector<10000x128xf32>,
    return
  }
}

</mosaic_0001>

<sc_bundles>
// kernel: kernel.5.cloned.1.call-start
scs
__scs_entry_jumppad:
0x0: {  	(pc) =	sbr.rel $0x88, $3  }
0x1: {  	(tag) =	ssettag $0x0;
	lr =	simm.s32 $0x1  }
0x2: {  	[smem:$0x3F98] =	sst lr;
	_ =	strace $0xD0000000  }
0x3: {  	_ = 	snop  }
0x4: {  	_ = 	snop  }
0x5: {  	_ = 	snop  }
0x6: {  	_ = 	snop  }
0x7: {  	_ = 	snop  }
__scs_overlays_trampoline_lowered:
0x8: {  	[smem:$0x3FA7] =	sst s0  }
0x9: {  	[smem:$0x3FA8] =	sst s1  }
0xa: {  	[smem:$0x3FA9] =	sst s2  }
0xb: {  	[smem:$0x3FAA] =	sst s3  }
0xc: {  	[smem:$0x3FAB] =	sst s4  }
0xd: {  	[smem:$0x3FAC] =	sst s5  }
0xe: {  	[smem:$0x3FAD] =	sst s6  }
0xf: {  	[smem:$0x3FAE] =	sst s7  }
0x10: {  	[smem:$0x3FAF] =	sst s8  }
0x11: {  	[smem:$0x3FB0] =	sst s9;
	s0 =	simm.s32 @!p0 $0x0  }
0x12: {  	s1 =	sld [smem:$0x3F96];
	s0 =	simm.s32 @p0 $0x1  }
0x13: {  	[smem:$0x3FB1] =	sst s0;
	s0 =	simm.s32 @!p1 $0x0  }
0x14: {  	s2 =	sld [smem:$0x3F95];
	s0 =	simm.s32 @p1 $0x1  }
0x15: {  	[smem:$0x3FB2] =	sst s0;
	s0 =	simm.s32 @!p2 $0x0  }
0x16: {  	s3 =	sld [smem:$0x3FDB];
	s0 =	simm.s32 @p2 $0x1  }
0x17: {  	s4 =	simm.s32 $0x1BF5;
	[smem:$0x3FB4] =	sst s0  }
0x18: {  	s0 =	sld [smem:$0x3F97];
	_ =	swait.ge [sflag:s4], $0x0  }
0x19: {  	s7 =	sld [smem:$0x3F98]  }
0x1a: {  	s8 =	sadd.s32 $0xFFFFE003, lr  }
0x1b: {  	s9 =	sadd.s32 $0xFFFFFEF7, lr;
	s5 =	simm.s32 $0xFFFFFFFF;
	p2 =	slt.u32 s8, $0xFFFFF086  }
0x1c: {  	p1 =	slt.u32 s9, $0xF7A;
	s5 =	simm.s32 @!p2 $0x0  }
0x1d: {  	s5 =	simm.s32 @p1 $0x1;
	p0 =	seq.s32 s7, s2  }
0x1e: {  	s7 =	smul.u32 @!p0 $0xF7A, s2;
	p2 =	seq.s32 @!p0 s5, $0x0  }
0x1f: {  	s9 =	smul.u32 $0xF7A, s1;
	s8 =	simm.s32 @!p0 $0x1BF5;
	p2 =	por !p2, p0  }
0x20: {  	[sflag:s8] =	ssyncset.s32 @!p0 $0xFFFFF086;
	s6 =	sadd.s32 @!p0 s3, s7;
	s7 =	simm.s32 @!p0 $0x108  }
0x21: {  	s3 =	sadd.s32 s3, s9;
	s6 =	sadd.s32 @!p0 $0x88, s6;
	s7 =	simm.s32 @p2 $0x1082  }
0x22: {  	[simem:s7], [sflag:s8] =	dma.local @!p0 [hbm:s6], $0xF7A  }
0x23: {  	s9 =	sor.u32 $0xD0000000, s2;
	s6 =	simm.s32 $0x108;
	_ =	swait.ge @!p0 [sflag:s8], $0x0  }
0x24: {  	s3 =	sadd.s32 $0x88, s3;
	s6 =	simm.s32 @!p1 $0x1082;
	[sflag:s4] =	ssyncset.s32 $0xFFFFF086  }
0x25: {  	[simem:s6], [sflag:s4] =	dma.local [hbm:s3], $0xF7A  }
0x26: {  	[smem:$0x3F98] =	sst s1;
	(tag) =	ssettag s2;
	_ =	strace s9  }
0x27: {  	s1 =	sld [smem:$0x3FA8]  }
0x28: {  	s2 =	sld [smem:$0x3FA9]  }
0x29: {  	s4 =	sld [smem:$0x3FAB]  }
0x2a: {  	p0 =	seq.s32 s5, $0x0;
	s5 =	sld [smem:$0x3FAC]  }
0x2b: {  	s6 =	sld [smem:$0x3FAD]  }
0x2c: {  	s7 =	sld [smem:$0x3FAE]  }
0x2d: {  	s3 =	simm.s32 $0x108;
	s8 =	sld [smem:$0x3FAF]  }
0x2e: {  	s3 =	simm.s32 @!p0 $0x1082;
	s9 =	sld [smem:$0x3FB0]  }
0x2f: {  	lr =	sadd.s32 s0, s3;
	s0 =	sld [smem:$0x3FA7]  }
0x30: {  	s3 =	sld [smem:$0x3FAA]  }
0x31: {  	[smem:$0x3FB3] =	sst s10  }
0x32: {  	s10 =	sld [smem:$0x3FB1];
	_ =	sdelay $0x3  }
0x33: {  	p0 =	seq.s32 s10, $0x1;
	s10 =	sld [smem:$0x3FB3];
	_ =	sdelay $0x3  }
0x34: {  	[smem:$0x3FB3] =	sst s10  }
0x35: {  	s10 =	sld [smem:$0x3FB2];
	_ =	sdelay $0x3  }
0x36: {  	p1 =	seq.s32 s10, $0x1;
	s10 =	sld [smem:$0x3FB3];
	_ =	sdelay $0x3  }
0x37: {  	[smem:$0x3FB3] =	sst s10  }
0x38: {  	s10 =	sld [smem:$0x3FB4]  }
0x39: {  	_ = 	snop;
	(pc) =	sbr.ind lr, $3  }
0x3a: {  	_ = 	snop  }
0x3b: {  	_ = 	snop  }
0x3c: {  	p2 =	seq.s32 s10, $0x1;
	s10 =	sld [smem:$0x3FB3]  }
0x3d: {  	_ =	shalt  }
0x3e: {  	_ =	shalt  }
0x3f: {  	_ =	shalt  }
0x40: {  	_ =	shalt  }
0x41: {  	_ =	shalt  }
0x42: {  	_ =	shalt  }
0x43: {  	_ =	shalt  }
0x44: {  	_ =	shalt  }
0x45: {  	_ =	shalt  }
0x46: {  	_ =	shalt  }
0x47: {  	_ =	shalt  }
0x48: {  	_ =	shalt  }
0x49: {  	_ =	shalt  }
0x4a: {  	_ =	shalt  }
0x4b: {  	_ =	shalt  }
0x4c: {  	_ =	shalt  }
0x4d: {  	_ =	shalt  }
0x4e: {  	_ =	shalt  }
0x4f: {  	_ =	shalt  }
0x50: {  	_ =	shalt  }
0x51: {  	_ =	shalt  }
0x52: {  	_ =	shalt  }
0x53: {  	_ =	shalt  }
0x54: {  	_ =	shalt  }
0x55: {  	_ =	shalt  }
0x56: {  	_ =	shalt  }
0x57: {  	_ =	shalt  }
0x58: {  	_ =	shalt  }
0x59: {  	_ =	shalt  }
0x5a: {  	_ =	shalt  }
0x5b: {  	_ =	shalt  }
0x5c: {  	_ =	shalt  }
0x5d: {  	_ =	shalt  }
0x5e: {  	_ =	shalt  }
0x5f: {  	_ =	shalt  }
0x60: {  	_ =	shalt  }
0x61: {  	_ =	shalt  }
0x62: {  	_ =	shalt  }
0x63: {  	_ =	shalt  }
0x64: {  	_ =	shalt  }
0x65: {  	_ =	shalt  }
0x66: {  	_ =	shalt  }
0x67: {  	_ =	shalt  }
0x68: {  	_ =	shalt  }
0x69: {  	_ =	shalt  }
0x6a: {  	_ =	shalt  }
0x6b: {  	_ =	shalt  }
0x6c: {  	_ =	shalt  }
0x6d: {  	_ =	shalt  }
0x6e: {  	_ =	shalt  }
0x6f: {  	_ =	shalt  }
0x70: {  	_ =	shalt  }
0x71: {  	_ =	shalt  }
0x72: {  	_ =	shalt  }
0x73: {  	_ =	shalt  }
0x74: {  	_ =	shalt  }
0x75: {  	_ =	shalt  }
0x76: {  	_ =	shalt  }
0x77: {  	_ =	shalt  }
0x78: {  	_ =	shalt  }
0x79: {  	_ =	shalt  }
0x7a: {  	_ =	shalt  }
0x7b: {  	_ =	shalt  }
0x7c: {  	_ =	shalt  }
0x7d: {  	_ =	shalt  }
0x7e: {  	_ =	shalt  }
0x7f: {  	_ =	shalt  }
0x80: {  	_ =	shalt  }
0x81: {  	_ =	shalt  }
0x82: {  	_ =	shalt  }
0x83: {  	_ =	shalt  }
0x84: {  	_ =	shalt  }
0x85: {  	_ =	shalt  }
0x86: {  	_ =	shalt  }
0x87: {  	_ =	shalt  }
.Lfunc_end0:
.L_simem_size_0:
called_computation_lowered:
.L_overlay_start_0:
0x88: {  	s2 =	sld [smem:$0x3FD9]  }
0x89: {  	s3 =	sld [smem:$0x3FFE];
	_ =	sdelay $0x1  }
0x8a: {  	s1 =	srdreg.scid  }
0x8b: {  	s0 =	sand.u32 $0x1, s1  }
0x8c: {  	s17 =	sshll.u32 s0, $0xA;
	s2 =	sadd.s32 s3, s2  }
0x8d: {  	s2 =	sadd.s32 s2, s17  }
0x8e: {  	[smem:$0x3FBF] =	sst s2  }
0x8f: {  	_ = 	snop  }
0x90: {  	s2 =	sld [smem:$0x3FD0];
	(tm) =	ssettm $0x1  }
0x91: {  	s18 =	sld [smem:$0x3FFB];
	_ =	sdelay $0x3  }
0x92: {  	_ =	strace s18  }
0x93: {  	s3 =	sld [smem:$0x3FFC];
	_ =	sdelay $0x3  }
0x94: {  	_ =	strace s3  }
0x95: {  	s3 =	sld [smem:$0x3FFD];
	_ =	sdelay $0x3  }
0x96: {  	_ =	strace s3  }
0x97: {  	_ =	strace $0x8FFFFFFF  }
0x98: {  	s19 =	sld [smem:$0x3FDB];
	_ =	sdelay $0x1  }
0x99: {  	s4 =	simm.s32 $_scs_section_size  }
0x9a: {  	s5 =	simm.s32 $_size__tile_overlayer_lowered;
	s6 =	simm.s32 $_tile_overlayer_lowered  }
0x9b: {  	s22 =	simm.s32 $0x1BFF;
	s21 =	sshll.u32 s6, $0x1;
	s3 =	sadd.s32 s4, s19  }
0x9c: {  	s7 =	simm.s32 $0x0;
	s20 =	sshll.u32 s5, $0x1;
	s5 =	sadd.s32 s21, s3  }
0x9d: {  	[timem:s7], [sflag:s22] =	dma.local [hbm:s5], s20  }
0x9e: {  	_ =	swait.ge [sflag:s22], s20  }
0x9f: {  	s4 =	ssub.s32 $0x0, s20;
	[sflag:s22] =	ssyncset.done $0x0  }
0xa0: {  	[sflag:s22] =	ssyncadd.s32 s4;
	_ =	sdelay $0x1  }
0xa1: {  	s23 =	simm.s32 $0x1B8B  }
0xa2: {  	_ =	swait.ge [sflag:s23], $0x1  }
0xa3: {  	[sflag:s23] =	ssyncset.done $0x0  }
0xa4: {  	s25 =	simm.s32 $0x1B8E;
	s24 =	sld [smem:$0x3FFE];
	[sflag:s23] =	ssyncadd.s32 $0xFFFFFFFF  }
0xa5: {  	s26 =	simm.s32 $execute0_lowered;
	[smem:$0x3FD2] =	sst s25  }
0xa6: {  	s5 =	sshll.u32 s26, $0x1;
	_ =	strace $0x80000046;
	[dreg:$0x1] =	wrdreg $0xFFFFFFFF  }
0xa7: {  	s28 =	simm.s32 $_size_execute0_lowered;
	s3 =	sadd.s32 s3, s5;
	[dreg:$0x0] =	wrdreg $0x0  }
0xa8: {  	s5 =	sshll.u32 s28, $0x1;
	[dreg:$0x2] =	wrdreg s3  }
0xa9: {  	[dreg:$0x3] =	wrdreg s5  }
0xaa: {  	[dreg:$0x4] =	wrdreg $0xC0  }
0xab: {  	_ =	task [dreg:s7], $0x5FFFF  }
0xac: {  	[dreg:$0x1] =	wrdreg $0xFFFFFFFF  }
0xad: {  	[dreg:$0x0] =	wrdreg $0x60  }
0xae: {  	[dreg:$0x2] =	wrdreg s2  }
0xaf: {  	[dreg:$0x3] =	wrdreg s24  }
0xb0: {  	[dreg:$0x4] =	wrdreg $0x90000  }
0xb1: {  	[dreg:$0x5] =	wrdreg $0x12C400  }
0xb2: {  	[dreg:$0x6] =	wrdreg $0x9  }
0xb3: {  	_ =	task.clear_ibuf [dreg:s7], $0x7FFFF;
	_ =	strace $0x90000046  }
0xb4: {  	s29 =	simm.s32 $0x9;
	_ =	strace $0x8000004B  }
0xb5: {  	_ =	swait.ge [sflag:s29], $0x1  }
0xb6: {  	[sflag:s29] =	ssyncadd.s32 $0xFFFFFFFF  }
0xb7: {  	_ =	strace $0x9000004B  }
0xb8: {  	_ =	sfence  }
0xb9: {  	s30 =	sld [smem:$0x0];
	_ =	sdelay $0x2  }
0xba: {  	s31 =	sshll.u32 s1, $0xD;
	s1 =	sshrl.u32 s1, $0x2  }
0xbb: {  	s3 =	sand.u32 $0x4000, s31;
	s1 =	sadd.s32 s1, s30  }
0xbc: {  	s0 =	sor.u32 s3, s0;
	s1 =	sshll.u32 s1, $0x11  }
0xbd: {  	s0 =	sor.u32 s1, s0  }
0xbe: {  	s0 =	sadd.s32 $0x8F2B, s0  }
0xbf: {  	[sflag:s0] =	ssyncadd.remote.s32 $0x1  }
0xc0: {  	_ =	sfence.sel $0xFFFF  }
0xc1: {  	[dreg:$0x0] =	wrdreg $0xFFFFFFFF;
	(pc) =	sbr.abs _section_cstart, $3  }
0xc2: {  	[dreg:$0x1] =	wrdreg $0xFFFFFFFF  }
0xc3: {  	_ =	task.clear_ibuf [dreg:s7], $0x2FFFF;
	_ =	strace $0x9FFFFFFF  }
0xc4: {  	(tm) =	ssettm $0x7FFFFFFF  }
0xc5: {  	_ =	shalt  }
tec
execute0_lowered:
.L_overlay_start_1:
0x0: {  	(tag) =	ssettag $0x1  }
0x1: {  	s0 =	rddreg [dreg:$0x0]  }
0x2: {  	s1 =	rddreg [dreg:$0x1]  }
0x3: {  	s2 =	rddreg [dreg:$0x2]  }
0x4: {  	s3 =	rddreg [dreg:$0x3]  }
0x5: {  	s5 =	srdreg.scid;
	s15 =	stileid.u32  }
0x6: {  	s4 =	simm.s32 $0x0;
	s17 =	simm.s32 $0x9;
	s28 =	simm.s32 $0x2  }
0x7: {  	s29 =	simm.s32 $0x5;
	s30 =	simm.s32 $0x7000;
	s6 =	smul.u32 $0x9E00, s15  }
0x8: {  	s31 =	simm.s32 $0x3;
	s5 =	sand.u32 $0x1, s5;
	s11 =	smul.u32 $0x9C40, s15  }
0x9: {  	[smem:$0x7FF] =	sst s4;
	s9 =	sadd.s32 $0xC00, s1;
	s19 =	smul.u32 $0xA00, s15  }
0xa: {  	s10 =	sadd.s32 $0xAC00, s1;
	s12 =	sadd.s32 $0x14C00, s1;
	s7 =	smul.u32 $0x9E000, s5  }
0xb: {  	s26 =	sshll.u32 s15, $0x6;
	_ =	strace $0x80000047;
	s8 =	smul.u32 $0x9C400, s5  }
0xc: {  	[dreg:$0x5] =	wrdreg s12;
	s5 =	ssub.s32 $0x2, s5;
	s15 =	sor.u32 $0x1C09, s26  }
0xd: {  	s26 =	simm.s32 $0x5000;
	s18 =	sshrl.u32 s5, $0x1;
	s20 =	sadd.s32 s11, s2  }
0xe: {  	s21 =	sadd.s32 s6, s3;
	s22 =	sor.u32 $0x80, s19;
	s23 =	sadd.s32 s9, s19  }
0xf: {  	s24 =	sadd.s32 s10, s19;
	s19 =	simm.s32 $0x7;
	s7 =	sadd.s32 s6, s7  }
0x10: {  	s8 =	sadd.s32 s11, s8;
	s5 =	ssub.s32 s5, s18;
	s9 =	sadd.s32 s9, s22  }
0x11: {  	s6 =	sadd.s32 s10, s22;
	[dreg:$0x8] =	wrdreg s24;
	s13 =	sadd.s32 $0x100, s24  }
0x12: {  	[dreg:$0x7] =	wrdreg s23;
	s14 =	sadd.s32 $0x100, s23;
	s16 =	sshrl.u32 s20, $0x3  }
0x13: {  	s18 =	sshrl.u32 s21, $0x3;
	s22 =	simm.s32 $0x80;
	s23 =	simm.s32 $0x3000  }
0x14: {  	s24 =	simm.s32 $0x1;
	s20 =	simm.s32 $0x8;
	s21 =	simm.s32 $0x0  }
.Ltmp0:
0x15: {  	s7 =	sshrl.u32 s7, $0x3;
	[dreg:$0x9] =	wrdreg s9;
	(pc) =	sbr.rel .LBB2_1-.Ltmp0, $4  }
0x16: {  	s8 =	sshrl.u32 s8, $0x3;
	[dreg:$0xa] =	wrdreg s6;
	s25 =	smax.u32 s5, $0x1  }
0x17: {  	s1 =	sadd.s32 s7, s1;
	s0 =	sadd.s32 s0, s8;
	[dreg:$0xc] =	wrdreg s25  }
0x18: {  	s25 =	simm.s32 $0x1000;
	[dreg:$0x6] =	wrdreg s0;
	s1 =	sadd.s32 $0x16000, s1  }
0x19: {  	s0 =	simm.s32 $0x6;
	[dreg:$0xb] =	wrdreg s1;
	s1 =	simm.s32 $0x4  }
.LBB2_3:
0x1a: {  	_ =	swait.ge [sflag:s1], $0x2000  }
0x1b: {  	[sflag:s1] =	ssyncset.done $0x0  }
0x1c: {  	[sflag:s1] =	ssyncadd.s32 $0xFFFFE000  }
0x1d: {  	_ =	swait.ge [sflag:s29], $0x2000  }
0x1e: {  	[sflag:s29] =	ssyncset.done $0x0  }
0x1f: {  	s5 =	sor.u32 $0x800, s7;
	[sflag:s29] =	ssyncadd.s32 $0xFFFFE000  }
0x20: {  	[spmem:s3] =	stream.indirect.scatter.add.f32 [tilespmem:s30], [sflag:$0x6], $0x40, s5, s22, $0x2000b8;
	[tilespmem:$0x1CA40] =	vst v63  }
.LBB2_5:
0x21: {  	_ =	swait.ge [sflag:s0], $0x2000  }
0x22: {  	[sflag:s0] =	ssyncset.done $0x0  }
0x23: {  	[sflag:s0] =	ssyncadd.s32 $0xFFFFE000  }
0x24: {  	[bflag:$0x0] =	sbarrier.arrive $0xFFFF  }
0x25: {  	_ =	strace $0x90000049  }
0x26: {  	_ =	strace $0x8000004A  }
0x27: {  	s5 =	rddreg [dreg:$0xb]  }
0x28: {  	[hbm:s5], [sflag:s15] =	dma.local [spmem:s18], $0x13C0  }
0x29: {  	_ =	swait.ge [sflag:s17], $0x13C0  }
0x2a: {  	s21 =	sadd.s32 $0x1, s21;
	s12 =	rddreg [dreg:$0xc]  }
0x2b: {  	p0 =	sne.s32 s21, s12  }
.Ltmp1:
0x2c: {  	_ = 	snop;
	(pc) =	sbr.rel @!p0 .LBB2_6-.Ltmp1, $4  }
0x2d: {  	_ = 	snop  }
0x2e: {  	[sflag:s17] =	ssyncset.done $0x0  }
0x2f: {  	[sflag:s17] =	ssyncadd.s32 $0xFFFFEC40  }
0x30: {  	_ =	strace $0x9000004A  }
.LBB2_1:
0x31: {  	_ =	strace $0x80000048  }
0x32: {  	s5 =	rddreg [dreg:$0x6]  }
0x33: {  	[spmem:s16], [sflag:s15] =	dma.local [hbm:s5], $0x1388  }
0x34: {  	_ =	swait.ge [sflag:s17], $0x1388  }
0x35: {  	[sflag:s17] =	ssyncset.done $0x0  }
0x36: {  	s6 =	rddreg [dreg:$0x5];
	[sflag:s17] =	ssyncadd.s32 $0xFFFFEC78  }
0x37: {  	[spmem:s18], [sflag:s15] =	dma.local [hbm:s6], $0x13C0  }
0x38: {  	_ =	swait.ge [sflag:s17], $0x13C0  }
0x39: {  	[sflag:s17] =	ssyncset.done $0x0  }
0x3a: {  	s7 =	rddreg [dreg:$0x7];
	[sflag:s17] =	ssyncadd.s32 $0xFFFFEC40  }
0x3b: {  	[tilespmem:s4], [sflag:$0x9] =	stream.linear.gather [hbm4b:s7+s4], $0x400, $0x200038;
	[tilespmem:$0x1CA40] =	vst v63  }
0x3c: {  	_ =	swait.ge [sflag:s17], $0x400  }
0x3d: {  	[sflag:s17] =	ssyncset.done $0x0  }
0x3e: {  	s6 =	simm.s32 $0x800;
	s8 =	rddreg [dreg:$0x8];
	[sflag:s17] =	ssyncadd.s32 $0xFFFFFC00  }
0x3f: {  	[tilespmem:s6], [sflag:$0x9] =	stream.linear.gather [hbm4b:s8+s4], $0x400, $0x200038;
	[tilespmem:$0x1CA40] =	vst v63  }
0x40: {  	_ =	swait.ge [sflag:s17], $0x400  }
0x41: {  	[sflag:s17] =	ssyncset.done $0x0  }
0x42: {  	s10 =	simm.s32 $0x400;
	s9 =	rddreg [dreg:$0x9];
	[sflag:s17] =	ssyncadd.s32 $0xFFFFFC00  }
0x43: {  	[tilespmem:s10], [sflag:$0x7] =	stream.linear.gather [hbm4b:s9+s4], $0x400, $0x200038;
	[tilespmem:$0x1CA40] =	vst v63  }
0x44: {  	s12 =	simm.s32 $0xC00;
	s11 =	rddreg [dreg:$0xa]  }
0x45: {  	[tilespmem:s12], [sflag:$0x8] =	stream.linear.gather [hbm4b:s11+s4], $0x400, $0x200038;
	[tilespmem:$0x1CA40] =	vst v63  }
0x46: {  	[bflag:$0x0] =	sbarrier.arrive $0xFFFF  }
0x47: {  	_ =	strace $0x90000048  }
0x48: {  	[tilespmem:s25], [sflag:$0x1] =	stream.indirect.gather [spmem:s2], $0x40, s4, s22, $0xb8;
	[tilespmem:$0x1CA40] =	vst v63  }
0x49: {  	s5 =	simm.s32 $0x1000;
	s6 =	simm.s32 $0x0  }
0x4a: {  	[tilespmem:s23], [sflag:$0x2] =	stream.indirect.gather [spmem:s2], $0x40, s22, s22, $0xb8;
	[tilespmem:$0x1CA40] =	vst v63  }
0x4b: {  	s9 =	simm.s32 $0x0;
	s10 =	simm.s32 $0x0;
	_ =	strace $0x80000049  }
.LBB2_2:
0x4c: {  	_ =	swait.ge [sflag:s24], $0x2000  }
0x4d: {  	p0 =	seq.s32 s9, $0x0;
	[sflag:s24] =	ssyncset.done $0x0  }
0x4e: {  	s7 =	simm.s32 @!p0 $0x6;
	[sflag:s24] =	ssyncadd.s32 $0xFFFFE000  }
0x4f: {  	_ =	swait.ge @!p0 [sflag:s7], $0x2000  }
0x50: {  	s11 =	sand.u32 $0x400, s6;
	[sflag:s7] =	ssyncset.done @!p0 $0x0  }
0x51: {  	s12 =	sor.u32 $0x800, s11;
	[sflag:s7] =	ssyncadd.s32 @!p0 $0xFFFFE000  }
0x52: {  	[spmem:s3] =	stream.indirect.scatter.add.f32 [tilespmem:s25], [sflag:$0x5], $0x40, s12, s22, $0x2000b8;
	[tilespmem:$0x1CA40] =	vst v63  }
0x53: {  	s8 =	sor.u32 $0x100, s11  }
0x54: {  	[tilespmem:s26], [sflag:$0x3] =	stream.indirect.gather [spmem:s2], $0x40, s8, s22, $0x2000b8;
	[tilespmem:$0x1CA40] =	vst v63  }
0x55: {  	_ =	swait.ge [sflag:s28], $0x2000  }
0x56: {  	[sflag:s28] =	ssyncset.done $0x0  }
0x57: {  	[sflag:s28] =	ssyncadd.s32 $0xFFFFE000  }
0x58: {  	_ =	swait.ge [sflag:s29], $0x2000  }
0x59: {  	[sflag:s29] =	ssyncset.done $0x0  }
0x5a: {  	s8 =	sor.u32 $0x880, s11;
	[sflag:s29] =	ssyncadd.s32 $0xFFFFE000  }
0x5b: {  	[spmem:s3] =	stream.indirect.scatter.add.f32 [tilespmem:s23], [sflag:$0x6], $0x40, s8, s22, $0x2000b8;
	[tilespmem:$0x1CA40] =	vst v63  }
0x5c: {  	s8 =	sor.u32 $0x180, s11  }
0x5d: {  	[tilespmem:s30], [sflag:$0x4] =	stream.indirect.gather [spmem:s2], $0x40, s8, s22, $0x2000b8;
	[tilespmem:$0x1CA40] =	vst v63  }
0x5e: {  	_ =	swait.ge [sflag:s31], $0x2000  }
0x5f: {  	[sflag:s31] =	ssyncset.done $0x0  }
0x60: {  	[sflag:s31] =	ssyncadd.s32 $0xFFFFE000  }
0x61: {  	_ =	swait.ge [sflag:s0], $0x2000  }
0x62: {  	[sflag:s0] =	ssyncset.done $0x0  }
0x63: {  	s8 =	sor.u32 $0x900, s11;
	[sflag:s0] =	ssyncadd.s32 $0xFFFFE000  }
0x64: {  	[spmem:s3] =	stream.indirect.scatter.add.f32 [tilespmem:s26], [sflag:$0x5], $0x40, s8, s22, $0x2000b8;
	[tilespmem:$0x1CA40] =	vst v63  }
0x65: {  	s8 =	sor.u32 $0x200, s11  }
0x66: {  	[tilespmem:s25], [sflag:$0x1] =	stream.indirect.gather [spmem:s2], $0x40, s8, s22, $0x2000b8;
	[tilespmem:$0x1CA40] =	vst v63  }
0x67: {  	_ =	swait.ge [sflag:s1], $0x2000  }
0x68: {  	[sflag:s1] =	ssyncset.done $0x0  }
0x69: {  	[sflag:s1] =	ssyncadd.s32 $0xFFFFE000  }
0x6a: {  	_ =	swait.ge [sflag:s29], $0x2000  }
0x6b: {  	[sflag:s29] =	ssyncset.done $0x0  }
0x6c: {  	s8 =	sor.u32 $0x980, s11;
	[sflag:s29] =	ssyncadd.s32 $0xFFFFE000  }
0x6d: {  	[spmem:s3] =	stream.indirect.scatter.add.f32 [tilespmem:s30], [sflag:$0x6], $0x40, s8, s22, $0x2000b8;
	[tilespmem:$0x1CA40] =	vst v63  }
0x6e: {  	s8 =	sor.u32 $0x280, s11  }
0x6f: {  	[tilespmem:s23], [sflag:$0x2] =	stream.indirect.gather [spmem:s2], $0x40, s8, s22, $0x2000b8;
	[tilespmem:$0x1CA40] =	vst v63  }
0x70: {  	_ =	swait.ge [sflag:s24], $0x2000  }
0x71: {  	[sflag:s24] =	ssyncset.done $0x0  }
0x72: {  	[sflag:s24] =	ssyncadd.s32 $0xFFFFE000  }
0x73: {  	_ =	swait.ge [sflag:s0], $0x2000  }
0x74: {  	[sflag:s0] =	ssyncset.done $0x0  }
0x75: {  	s8 =	sor.u32 $0xA00, s11;
	[sflag:s0] =	ssyncadd.s32 $0xFFFFE000  }
0x76: {  	[spmem:s3] =	stream.indirect.scatter.add.f32 [tilespmem:s25], [sflag:$0x5], $0x40, s8, s22, $0x2000b8;
	[tilespmem:$0x1CA40] =	vst v63  }
0x77: {  	s8 =	sor.u32 $0x300, s11  }
0x78: {  	[tilespmem:s26], [sflag:$0x3] =	stream.indirect.gather [spmem:s2], $0x40, s8, s22, $0x2000b8;
	[tilespmem:$0x1CA40] =	vst v63  }
0x79: {  	_ =	swait.ge [sflag:s28], $0x2000  }
0x7a: {  	[sflag:s28] =	ssyncset.done $0x0  }
0x7b: {  	[sflag:s28] =	ssyncadd.s32 $0xFFFFE000  }
0x7c: {  	_ =	swait.ge [sflag:s29], $0x2000  }
0x7d: {  	[sflag:s29] =	ssyncset.done $0x0  }
0x7e: {  	s8 =	sor.u32 $0xA80, s11;
	[sflag:s29] =	ssyncadd.s32 $0xFFFFE000  }
0x7f: {  	[spmem:s3] =	stream.indirect.scatter.add.f32 [tilespmem:s23], [sflag:$0x6], $0x40, s8, s22, $0x2000b8;
	[tilespmem:$0x1CA40] =	vst v63  }
0x80: {  	s7 =	sor.u32 $0x380, s11  }
0x81: {  	[tilespmem:s30], [sflag:$0x4] =	stream.indirect.gather [spmem:s2], $0x40, s7, s22, $0x2000b8;
	[tilespmem:$0x1CA40] =	vst v63  }
0x82: {  	_ =	swait.ge [sflag:s31], $0x2000  }
0x83: {  	p0 =	sne.s32 s9, $0x980;
	[sflag:s31] =	ssyncset.done $0x0  }
.Ltmp2:
0x84: {  	[sflag:s31] =	ssyncadd.s32 $0xFFFFE000;
	(pc) =	sbr.rel @!p0 .LBB2_3-.Ltmp2, $4  }
0x85: {  	_ =	swait.ge [sflag:s0], $0x2000  }
0x86: {  	[sflag:s0] =	ssyncset.done $0x0  }
0x87: {  	s8 =	sor.u32 $0xB00, s11;
	[sflag:s0] =	ssyncadd.s32 $0xFFFFE000  }
0x88: {  	[spmem:s3] =	stream.indirect.scatter.add.f32 [tilespmem:s26], [sflag:$0x5], $0x40, s8, s22, $0x2000b8;
	[tilespmem:$0x1CA40] =	vst v63  }
0x89: {  	_ =	swait.ge [sflag:s19], $0x400  }
0x8a: {  	[sflag:s19] =	ssyncset.done $0x0  }
0x8b: {  	[sflag:s19] =	ssyncadd.s32 $0xFFFFFC00  }
0x8c: {  	_ =	swait.ge [sflag:s20], $0x400  }
0x8d: {  	s8 =	sshrl.u32 s5, $0x2;
	[sflag:s20] =	ssyncset.done $0x0  }
0x8e: {  	s8 =	sand.u32 $0x400, s8;
	[sflag:s20] =	ssyncadd.s32 $0xFFFFFC00  }
0x8f: {  	[tilespmem:s25], [sflag:$0x1] =	stream.indirect.gather [spmem:s2], $0x40, s8, s22, $0x2000b8;
	[tilespmem:$0x1CA40] =	vst v63  }
0x90: {  	_ =	swait.ge [sflag:s1], $0x2000  }
0x91: {  	[sflag:s1] =	ssyncset.done $0x0  }
0x92: {  	[sflag:s1] =	ssyncadd.s32 $0xFFFFE000  }
0x93: {  	_ =	swait.ge [sflag:s29], $0x2000  }
0x94: {  	[sflag:s29] =	ssyncset.done $0x0  }
0x95: {  	s7 =	sor.u32 $0x800, s7;
	[sflag:s29] =	ssyncadd.s32 $0xFFFFE000  }
0x96: {  	[spmem:s3] =	stream.indirect.scatter.add.f32 [tilespmem:s30], [sflag:$0x6], $0x40, s7, s22, $0x2000b8;
	[tilespmem:$0x1CA40] =	vst v63  }
0x97: {  	p0 =	sgt.u32 s10, $0x11;
	s8 =	sor.u32 $0x80, s8  }
0x98: {  	[tilespmem:s23], [sflag:$0x2] =	stream.indirect.gather [spmem:s2], $0x40, s8, s22, $0x2000b8;
	[tilespmem:$0x1CA40] =	vst v63  }
0x99: {  	s7 =	sadd.s32 @!p0 s9, s14;
	s8 =	simm.s32 @!p0 $0x0  }
0x9a: {  	[tilespmem:s11], [sflag:$0x7] =	stream.linear.gather @!p0 [hbm4b:s7+s8], $0x400, $0x200038;
	[tilespmem:$0x1CA40] =	vst v63  }
0x9b: {  	s7 =	sadd.s32 @!p0 s9, s13;
	s9 =	sadd.s32 $0x80, s9  }
0x9c: {  	[tilespmem:s12], [sflag:$0x8] =	stream.linear.gather @!p0 [hbm4b:s7+s8], $0x400, $0x200038;
	[tilespmem:$0x1CA40] =	vst v63  }
0x9d: {  	p0 =	sne.s32 s9, $0xA00  }
.Ltmp3:
0x9e: {  	_ = 	snop;
	(pc) =	sbr.rel @p0 .LBB2_2-.Ltmp3, $4  }
.Ltmp4:
0x9f: {  	_ = 	snop;
	(pc) =	sbr.rel @!p0 .LBB2_5-.Ltmp4, $4  }
0xa0: {  	_ = 	snop  }
0xa1: {  	_ = 	snop  }
0xa2: {  	s6 =	sadd.s32 $0x400, s6;
	s5 =	sadd.s32 $0x1000, s5;
	s10 =	sadd.s32 $0x1, s10  }
0xa3: {  	_ = 	snop  }
.LBB2_6:
0xa4: {  	_ =	sfence.sel $0x180000  }
0xa5: {  	[bflag:$0x0] =	sbarrier.arrive $0xFFFF  }
0xa6: {  	_ =	strace $0x90000047  }
0xa7: {  	s0 =	stileid.u32;
	[bflag:$0x2] =	sbarrier.arrive $0xFFFF  }
0xa8: {  	p0 =	sne.s32 s0, $0x0;
	s0 =	rddreg [dreg:$0x4]  }
0xa9: {  	s0 =	sadd.s32 @!p0 $0x100000, s0  }
0xaa: {  	[sflag:s0] =	ssyncadd.tile.s32 @!p0 $0x1;
	_ =	shalt  }
.Lfunc_end2:
_tile_overlayer_lowered:
.L_overlay_start_2:
0xab: {  	(tag) =	ssettag $0x2  }
0xac: {  	s0 =	rddreg [dreg:$0x0];
	s2 =	stileid.u32  }
0xad: {  	s1 =	rddreg [dreg:$0x1];
	p0 =	sne.s32 s2, $0x0  }
0xae: {  	s3 =	rddreg [dreg:$0x2];
	[bflag:$0x3] =	sbarrier.arrive $0xFFFF;
	s2 =	simm.s32 @!p0 $0x1C09  }
0xaf: {  	[timem:s3], [sflag:s2] =	dma.local @!p0 [hbm:s0], s1  }
0xb0: {  	s0 =	simm.s32 @!p0 $0x9  }
0xb1: {  	_ =	swait.ge @!p0 [sflag:s0], s1  }
0xb2: {  	s1 =	ssub.s32 @!p0 $0x0, s1;
	[sflag:s0] =	ssyncset.done @!p0 $0x0  }
0xb3: {  	[sflag:s0] =	ssyncadd.s32 @!p0 s1  }
0xb4: {  	[bflag:$0x3] =	sbarrier.arrive $0xFFFF  }
0xb5: {  	_ =	shalt  }

</sc_bundles>
